<compile_context>
chip_gen: v7x
topology: tpu7x:2x2x1
jax: 0.10.2.dev20260603
libtpu: 0.0.44.dev20260713+nightly
codegen_flags: <defaults>
</compile_context>

<pallas_src>
import jax
import jax.numpy as jnp
from jax import lax
from jax.experimental import pallas as pl
from jax.experimental.pallas import tpu as pltpu
from jax.experimental.pallas import tpu_sc as plsc

B, S = 4, 4096
DIM = 128
N_TOTAL = B * S

_info = plsc.get_sparse_core_info()
_NC, _NS = _info.num_cores, _info.num_subcores
_NW = _NC * _NS
_PER_W = N_TOTAL // _NW


_CHUNK = 64
_NCH = _PER_W // _CHUNK


def _emb_kernel(idx_hbm, tok_hbm, segtab_hbm, out_hbm,
                idx_v, rows_v, seg_spmem, sem_g, sem_a, sem_s):
    sid = lax.axis_index("s")
    wid = sid * _NC + lax.axis_index("c")
    base = wid * _PER_W
    pltpu.sync_copy(idx_hbm.at[wid], idx_v)

    gt = [None] * _NCH
    ad = [None] * _NCH
    so = [None] * _NCH
    for c in range(_NCH):
        gt[c] = pltpu.async_copy(
            tok_hbm.at[idx_v.at[0, c]], rows_v.at[c], sem_g.at[c])

    @pl.when(sid == 0)
    def _stage():
        pltpu.sync_copy(segtab_hbm, seg_spmem)
    plsc.subcore_barrier()

    for c in range(_NCH):
        gt[c].wait()
        ad[c] = pltpu.async_copy(
            seg_spmem.at[idx_v.at[1, c]], rows_v.at[c], sem_a.at[c],
            add=True)
    for c in range(_NCH):
        ad[c].wait()
        so[c] = pltpu.async_copy(
            rows_v.at[c], out_hbm.at[pl.ds(base + c * _CHUNK, _CHUNK)],
            sem_s.at[c])
    for c in range(_NCH):
        so[c].wait()


@jax.jit
def _embeddings(idx_packed, tok_table, seg_table):
    mesh = plsc.VectorSubcoreMesh(core_axis_name="c", subcore_axis_name="s")
    return pl.kernel(
        _emb_kernel,
        out_type=jax.ShapeDtypeStruct((N_TOTAL, DIM), jnp.float32),
        mesh=mesh,
        scratch_types=[
            pltpu.VMEM((2, _NCH, _CHUNK), jnp.int32),
            pltpu.VMEM((_NCH, _CHUNK, DIM), jnp.float32),
            pltpu.VMEM_SHARED((512, DIM), jnp.float32),
            pltpu.SemaphoreType.DMA((_NCH,)),
            pltpu.SemaphoreType.DMA((_NCH,)),
            pltpu.SemaphoreType.DMA((_NCH,)),
        ],
    )(idx_packed, tok_table, seg_table)


def kernel(x, seg, tok_table, seg_table):
    idx_packed = jnp.stack(
        [x.reshape(_NW, _NCH, _CHUNK), seg.reshape(_NW, _NCH, _CHUNK)],
        axis=1)
    out = _embeddings(idx_packed, tok_table, seg_table)
    return out.reshape(B, S, DIM)

# --- scband reference (transcript-rebuilt; emitter-appended) ---
"""Pipeline reference for scband-embeddings-13417477832716 (READ-ONLY COPY).

The authoritative reference and input builder live on the scoring server;
editing this copy changes nothing except your own understanding.
"""

import jax, jax.numpy as jnp
import numpy as np

VOCAB = 1000000
SEG_VOCAB = 512
DIM = 128
B, S = 4, 4096

def setup_inputs(seed: int = 0) -> dict:
    key = jax.random.key(seed)
    k1, k2, k3, k4 = jax.random.split(key, 4)
    x = jax.random.randint(k1, (B, S), 0, VOCAB, dtype=jnp.int64 if jax.config.jax_enable_x64 else jnp.int32)
    seg = jax.random.randint(k2, (B, S), 0, SEG_VOCAB, dtype=jnp.int64 if jax.config.jax_enable_x64 else jnp.int32)
    tok_table = jax.random.normal(k3, (VOCAB, DIM), dtype=jnp.float32) * 0.02
    seg_table = jax.random.normal(k4, (SEG_VOCAB, DIM), dtype=jnp.float32) * 0.02
    return {"x": x, "seg": seg, "tok_table": tok_table, "seg_table": seg_table}

def reference(x, seg, tok_table, seg_table):
    # tok_embed(x) + seg_embed(seg)
    e = jnp.take(tok_table, x, axis=0) + jnp.take(seg_table, seg, axis=0)
    return e

if __name__ == "__main__":
    import jax
    _d = setup_inputs()
    print(jax.jit(kernel)(*tuple(_d.values())))

</pallas_src>

<mosaic_0001>
#map = affine_map<(d0, d1) -> (0, 0, 0, 0)>
#map1 = affine_map<(d0, d1) -> (0, 0)>
module attributes {stable_mosaic.version = 14 : i64} {
  func.func @_emb_kernel(%arg0: i32, %arg1: i32, %arg2: memref<32x2x8x64xi32, #tpu.memory_space<hbm>>, %arg3: memref<1000000x128xf32, #tpu.memory_space<hbm>>, %arg4: memref<512x128xf32, #tpu.memory_space<hbm>>, %arg5: memref<16384x128xf32, #tpu.memory_space<hbm>>, %arg6: memref<2x8x64xi32, #tpu.memory_space<vmem>>, %arg7: memref<8x64x128xf32, #tpu.memory_space<vmem>>, %arg8: memref<512x128xf32, #tpu.memory_space<vmem_shared>>, %arg9: memref<8x!tpu.dma_semaphore, #tpu.memory_space<semaphore_mem>>, %arg10: memref<8x!tpu.dma_semaphore, #tpu.memory_space<semaphore_mem>>, %arg11: memref<8x!tpu.dma_semaphore, #tpu.memory_space<semaphore_mem>>) attributes {dimension_semantics = [#tpu.dimension_semantics<core_parallel>, #tpu.dimension_semantics<subcore_parallel>], iteration_bounds = array<i64: 2, 16>, scalar_prefetch = 0 : i64, scratch_operands = 6 : i64, tpu.core_type = #tpu.core_type<sc_vector_subcore>, window_params = [{transform_indices = #map}, {transform_indices = #map1}, {transform_indices = #map1}, {transform_indices = #map1}]} {
    %mul3A = arith.constant 2 : i32
    %mul3A_0 = arith.muli %arg1, %mul3A : i32
    %add3A = arith.addi %mul3A_0, %arg0 : i32
    %mul3A_1 = arith.constant 512 : i32
    %mul3A_2 = arith.muli %add3A, %mul3A_1 : i32
    "tpu.region"() ({
      %run_scoped3A = tpu.sem_alloc : memref<!tpu.dma_semaphore, #tpu.memory_space<semaphore_mem>>
      %dma_start3A_787 = arith.constant 0 : i32
      %dma_start3A_788 = arith.constant 0 : i32
      %dma_start3A_789 = arith.constant 0 : i32
      %dma_start3A_790 = tpu.memref_slice %arg2[%add3A, %dma_start3A_787, %dma_start3A_788, %dma_start3A_789] : memref<32x2x8x64xi32, #tpu.memory_space<hbm>> -> memref<1x2x8x64xi32, #tpu.memory_space<hbm>>
      %dma_start3A_791 = tpu.memref_squeeze %dma_start3A_790 : memref<1x2x8x64xi32, #tpu.memory_space<hbm>> -> memref<2x8x64xi32, #tpu.memory_space<hbm>>
      %dma_start3A_792 = arith.constant 0 : i32
      %dma_start3A_793 = arith.constant 0 : i32
      %dma_start3A_794 = arith.constant 0 : i32
      %dma_start3A_795 = tpu.memref_slice %arg2[%add3A, %dma_start3A_792, %dma_start3A_793, %dma_start3A_794] : memref<32x2x8x64xi32, #tpu.memory_space<hbm>> -> memref<1x2x8x64xi32, #tpu.memory_space<hbm>>
      %dma_start3A_796 = tpu.memref_squeeze %dma_start3A_795 : memref<1x2x8x64xi32, #tpu.memory_space<hbm>> -> memref<2x8x64xi32, #tpu.memory_space<hbm>>
      tpu.enqueue_dma source(%dma_start3A_796 : memref<2x8x64xi32, #tpu.memory_space<hbm>>) target(%arg6 : memref<2x8x64xi32, #tpu.memory_space<vmem>>) target_semaphore(%run_scoped3A : memref<!tpu.dma_semaphore, #tpu.memory_space<semaphore_mem>>)
      %dma_wait3A_797 = arith.constant 0 : i32
      %dma_wait3A_798 = arith.constant 0 : i32
      %dma_wait3A_799 = arith.constant 0 : i32
      %dma_wait3A_800 = tpu.memref_slice %arg2[%add3A, %dma_wait3A_797, %dma_wait3A_798, %dma_wait3A_799] : memref<32x2x8x64xi32, #tpu.memory_space<hbm>> -> memref<1x2x8x64xi32, #tpu.memory_space<hbm>>
      %dma_wait3A_801 = tpu.memref_squeeze %dma_wait3A_800 : memref<1x2x8x64xi32, #tpu.memory_space<hbm>> -> memref<2x8x64xi32, #tpu.memory_space<hbm>>
      %dma_wait3A_802 = arith.constant 0 : i32
      %dma_wait3A_803 = arith.constant 0 : i32
      %dma_wait3A_804 = arith.constant 0 : i32
      %dma_wait3A_805 = tpu.memref_slice %arg2[%add3A, %dma_wait3A_802, %dma_wait3A_803, %dma_wait3A_804] : memref<32x2x8x64xi32, #tpu.memory_space<hbm>> -> memref<1x2x8x64xi32, #tpu.memory_space<hbm>>
      %dma_wait3A_806 = tpu.memref_squeeze %dma_wait3A_805 : memref<1x2x8x64xi32, #tpu.memory_space<hbm>> -> memref<2x8x64xi32, #tpu.memory_space<hbm>>
      tpu.wait_dma2 semaphore(%run_scoped3A : memref<!tpu.dma_semaphore, #tpu.memory_space<semaphore_mem>>) src(%dma_wait3A_806 : memref<2x8x64xi32, #tpu.memory_space<hbm>>) dst(%arg6 : memref<2x8x64xi32, #tpu.memory_space<vmem>>)
      tpu.yield
    }) : () -> ()
    %dma_start3A = arith.constant 0 : i32
    %dma_start3A_3 = arith.constant 0 : i32
    %dma_start3A_4 = arith.constant 0 : i32
    %dma_start3A_5 = arith.constant 0 : i32
    %dma_start3A_6 = arith.constant 0 : i32
    %dma_start3A_7 = arith.constant 0 : i32
    %dma_start3A_8 = tpu.memref_slice %arg7[%dma_start3A_4, %dma_start3A_6, %dma_start3A_7] : memref<8x64x128xf32, #tpu.memory_space<vmem>> -> memref<1x64x128xf32, #tpu.memory_space<vmem>>
    %dma_start3A_9 = tpu.memref_squeeze %dma_start3A_8 : memref<1x64x128xf32, #tpu.memory_space<vmem>> -> memref<64x128xf32, #tpu.memory_space<vmem>>
    %dma_start3A_10 = arith.constant 0 : i32
    %dma_start3A_11 = tpu.memref_slice %arg6[%dma_start3A, %dma_start3A_3, %dma_start3A_10] : memref<2x8x64xi32, #tpu.memory_space<vmem>> -> memref<1x1x64xi32, #tpu.memory_space<vmem>>
    %dma_start3A_12 = tpu.memref_squeeze %dma_start3A_11 : memref<1x1x64xi32, #tpu.memory_space<vmem>> -> memref<64xi32, #tpu.memory_space<vmem>>
    %dma_start3A_13 = arith.constant 0 : i32
    %dma_start3A_14 = arith.constant 0 : i32
    %dma_start3A_15 = tpu.memref_slice %arg3[%dma_start3A_13, %dma_start3A_14] : memref<1000000x128xf32, #tpu.memory_space<hbm>> -> memref<1000000x128xf32, #tpu.memory_space<hbm>>
    %dma_start3A_16 = tpu.memref_slice %arg9[%dma_start3A_5] : memref<8x!tpu.dma_semaphore, #tpu.memory_space<semaphore_mem>> -> memref<1x!tpu.dma_semaphore, #tpu.memory_space<semaphore_mem>>
    %dma_start3A_17 = tpu.memref_squeeze %dma_start3A_16 : memref<1x!tpu.dma_semaphore, #tpu.memory_space<semaphore_mem>> -> memref<!tpu.dma_semaphore, #tpu.memory_space<semaphore_mem>>
    tpu.enqueue_indirect_dma source(%dma_start3A_15 : memref<1000000x128xf32, #tpu.memory_space<hbm>>) target(%dma_start3A_9 : memref<64x128xf32, #tpu.memory_space<vmem>>) offsets(%dma_start3A_12 : memref<64xi32, #tpu.memory_space<vmem>>) semaphore(%dma_start3A_17 : memref<!tpu.dma_semaphore, #tpu.memory_space<semaphore_mem>>)
    %dma_start3A_18 = arith.constant 0 : i32
    %dma_start3A_19 = arith.constant 1 : i32
    %dma_start3A_20 = arith.constant 1 : i32
    %dma_start3A_21 = arith.constant 1 : i32
    %dma_start3A_22 = arith.constant 0 : i32
    %dma_start3A_23 = arith.constant 0 : i32
    %dma_start3A_24 = tpu.memref_slice %arg7[%dma_start3A_20, %dma_start3A_22, %dma_start3A_23] : memref<8x64x128xf32, #tpu.memory_space<vmem>> -> memref<1x64x128xf32, #tpu.memory_space<vmem>>
    %dma_start3A_25 = tpu.memref_squeeze %dma_start3A_24 : memref<1x64x128xf32, #tpu.memory_space<vmem>> -> memref<64x128xf32, #tpu.memory_space<vmem>>
    %dma_start3A_26 = arith.constant 0 : i32
    %dma_start3A_27 = tpu.memref_slice %arg6[%dma_start3A_18, %dma_start3A_19, %dma_start3A_26] : memref<2x8x64xi32, #tpu.memory_space<vmem>> -> memref<1x1x64xi32, #tpu.memory_space<vmem>>
    %dma_start3A_28 = tpu.memref_squeeze %dma_start3A_27 : memref<1x1x64xi32, #tpu.memory_space<vmem>> -> memref<64xi32, #tpu.memory_space<vmem>>
    %dma_start3A_29 = arith.constant 0 : i32
    %dma_start3A_30 = arith.constant 0 : i32
    %dma_start3A_31 = tpu.memref_slice %arg3[%dma_start3A_29, %dma_start3A_30] : memref<1000000x128xf32, #tpu.memory_space<hbm>> -> memref<1000000x128xf32, #tpu.memory_space<hbm>>
    %dma_start3A_32 = tpu.memref_slice %arg9[%dma_start3A_21] : memref<8x!tpu.dma_semaphore, #tpu.memory_space<semaphore_mem>> -> memref<1x!tpu.dma_semaphore, #tpu.memory_space<semaphore_mem>>
    %dma_start3A_33 = tpu.memref_squeeze %dma_start3A_32 : memref<1x!tpu.dma_semaphore, #tpu.memory_space<semaphore_mem>> -> memref<!tpu.dma_semaphore, #tpu.memory_space<semaphore_mem>>
    tpu.enqueue_indirect_dma source(%dma_start3A_31 : memref<1000000x128xf32, #tpu.memory_space<hbm>>) target(%dma_start3A_25 : memref<64x128xf32, #tpu.memory_space<vmem>>) offsets(%dma_start3A_28 : memref<64xi32, #tpu.memory_space<vmem>>) semaphore(%dma_start3A_33 : memref<!tpu.dma_semaphore, #tpu.memory_space<semaphore_mem>>)
    %dma_start3A_34 = arith.constant 0 : i32
    %dma_start3A_35 = arith.constant 2 : i32
    %dma_start3A_36 = arith.constant 2 : i32
    %dma_start3A_37 = arith.constant 2 : i32
    %dma_start3A_38 = arith.constant 0 : i32
    %dma_start3A_39 = arith.constant 0 : i32
    %dma_start3A_40 = tpu.memref_slice %arg7[%dma_start3A_36, %dma_start3A_38, %dma_start3A_39] : memref<8x64x128xf32, #tpu.memory_space<vmem>> -> memref<1x64x128xf32, #tpu.memory_space<vmem>>
    %dma_start3A_41 = tpu.memref_squeeze %dma_start3A_40 : memref<1x64x128xf32, #tpu.memory_space<vmem>> -> memref<64x128xf32, #tpu.memory_space<vmem>>
    %dma_start3A_42 = arith.constant 0 : i32
    %dma_start3A_43 = tpu.memref_slice %arg6[%dma_start3A_34, %dma_start3A_35, %dma_start3A_42] : memref<2x8x64xi32, #tpu.memory_space<vmem>> -> memref<1x1x64xi32, #tpu.memory_space<vmem>>
    %dma_start3A_44 = tpu.memref_squeeze %dma_start3A_43 : memref<1x1x64xi32, #tpu.memory_space<vmem>> -> memref<64xi32, #tpu.memory_space<vmem>>
    %dma_start3A_45 = arith.constant 0 : i32
    %dma_start3A_46 = arith.constant 0 : i32
    %dma_start3A_47 = tpu.memref_slice %arg3[%dma_start3A_45, %dma_start3A_46] : memref<1000000x128xf32, #tpu.memory_space<hbm>> -> memref<1000000x128xf32, #tpu.memory_space<hbm>>
    %dma_start3A_48 = tpu.memref_slice %arg9[%dma_start3A_37] : memref<8x!tpu.dma_semaphore, #tpu.memory_space<semaphore_mem>> -> memref<1x!tpu.dma_semaphore, #tpu.memory_space<semaphore_mem>>
    %dma_start3A_49 = tpu.memref_squeeze %dma_start3A_48 : memref<1x!tpu.dma_semaphore, #tpu.memory_space<semaphore_mem>> -> memref<!tpu.dma_semaphore, #tpu.memory_space<semaphore_mem>>
    tpu.enqueue_indirect_dma source(%dma_start3A_47 : memref<1000000x128xf32, #tpu.memory_space<hbm>>) target(%dma_start3A_41 : memref<64x128xf32, #tpu.memory_space<vmem>>) offsets(%dma_start3A_44 : memref<64xi32, #tpu.memory_space<vmem>>) semaphore(%dma_start3A_49 : memref<!tpu.dma_semaphore, #tpu.memory_space<semaphore_mem>>)
    %dma_start3A_50 = arith.constant 0 : i32
    %dma_start3A_51 = arith.constant 3 : i32
    %dma_start3A_52 = arith.constant 3 : i32
    %dma_start3A_53 = arith.constant 3 : i32
    %dma_start3A_54 = arith.constant 0 : i32
    %dma_start3A_55 = arith.constant 0 : i32
    %dma_start3A_56 = tpu.memref_slice %arg7[%dma_start3A_52, %dma_start3A_54, %dma_start3A_55] : memref<8x64x128xf32, #tpu.memory_space<vmem>> -> memref<1x64x128xf32, #tpu.memory_space<vmem>>
    %dma_start3A_57 = tpu.memref_squeeze %dma_start3A_56 : memref<1x64x128xf32, #tpu.memory_space<vmem>> -> memref<64x128xf32, #tpu.memory_space<vmem>>
    %dma_start3A_58 = arith.constant 0 : i32
    %dma_start3A_59 = tpu.memref_slice %arg6[%dma_start3A_50, %dma_start3A_51, %dma_start3A_58] : memref<2x8x64xi32, #tpu.memory_space<vmem>> -> memref<1x1x64xi32, #tpu.memory_space<vmem>>
    %dma_start3A_60 = tpu.memref_squeeze %dma_start3A_59 : memref<1x1x64xi32, #tpu.memory_space<vmem>> -> memref<64xi32, #tpu.memory_space<vmem>>
    %dma_start3A_61 = arith.constant 0 : i32
    %dma_start3A_62 = arith.constant 0 : i32
    %dma_start3A_63 = tpu.memref_slice %arg3[%dma_start3A_61, %dma_start3A_62] : memref<1000000x128xf32, #tpu.memory_space<hbm>> -> memref<1000000x128xf32, #tpu.memory_space<hbm>>
    %dma_start3A_64 = tpu.memref_slice %arg9[%dma_start3A_53] : memref<8x!tpu.dma_semaphore, #tpu.memory_space<semaphore_mem>> -> memref<1x!tpu.dma_semaphore, #tpu.memory_space<semaphore_mem>>
    %dma_start3A_65 = tpu.memref_squeeze %dma_start3A_64 : memref<1x!tpu.dma_semaphore, #tpu.memory_space<semaphore_mem>> -> memref<!tpu.dma_semaphore, #tpu.memory_space<semaphore_mem>>
    tpu.enqueue_indirect_dma source(%dma_start3A_63 : memref<1000000x128xf32, #tpu.memory_space<hbm>>) target(%dma_start3A_57 : memref<64x128xf32, #tpu.memory_space<vmem>>) offsets(%dma_start3A_60 : memref<64xi32, #tpu.memory_space<vmem>>) semaphore(%dma_start3A_65 : memref<!tpu.dma_semaphore, #tpu.memory_space<semaphore_mem>>)
    %dma_start3A_66 = arith.constant 0 : i32
    %dma_start3A_67 = arith.constant 4 : i32
    %dma_start3A_68 = arith.constant 4 : i32
    %dma_start3A_69 = arith.constant 4 : i32
    %dma_start3A_70 = arith.constant 0 : i32
    %dma_start3A_71 = arith.constant 0 : i32
    %dma_start3A_72 = tpu.memref_slice %arg7[%dma_start3A_68, %dma_start3A_70, %dma_start3A_71] : memref<8x64x128xf32, #tpu.memory_space<vmem>> -> memref<1x64x128xf32, #tpu.memory_space<vmem>>
    %dma_start3A_73 = tpu.memref_squeeze %dma_start3A_72 : memref<1x64x128xf32, #tpu.memory_space<vmem>> -> memref<64x128xf32, #tpu.memory_space<vmem>>
    %dma_start3A_74 = arith.constant 0 : i32
    %dma_start3A_75 = tpu.memref_slice %arg6[%dma_start3A_66, %dma_start3A_67, %dma_start3A_74] : memref<2x8x64xi32, #tpu.memory_space<vmem>> -> memref<1x1x64xi32, #tpu.memory_space<vmem>>
    %dma_start3A_76 = tpu.memref_squeeze %dma_start3A_75 : memref<1x1x64xi32, #tpu.memory_space<vmem>> -> memref<64xi32, #tpu.memory_space<vmem>>
    %dma_start3A_77 = arith.constant 0 : i32
    %dma_start3A_78 = arith.constant 0 : i32
    %dma_start3A_79 = tpu.memref_slice %arg3[%dma_start3A_77, %dma_start3A_78] : memref<1000000x128xf32, #tpu.memory_space<hbm>> -> memref<1000000x128xf32, #tpu.memory_space<hbm>>
    %dma_start3A_80 = tpu.memref_slice %arg9[%dma_start3A_69] : memref<8x!tpu.dma_semaphore, #tpu.memory_space<semaphore_mem>> -> memref<1x!tpu.dma_semaphore, #tpu.memory_space<semaphore_mem>>
    %dma_start3A_81 = tpu.memref_squeeze %dma_start3A_80 : memref<1x!tpu.dma_semaphore, #tpu.memory_space<semaphore_mem>> -> memref<!tpu.dma_semaphore, #tpu.memory_space<semaphore_mem>>
    tpu.enqueue_indirect_dma source(%dma_start3A_79 : memref<1000000x128xf32, #tpu.memory_space<hbm>>) target(%dma_start3A_73 : memref<64x128xf32, #tpu.memory_space<vmem>>) offsets(%dma_start3A_76 : memref<64xi32, #tpu.memory_space<vmem>>) semaphore(%dma_start3A_81 : memref<!tpu.dma_semaphore, #tpu.memory_space<semaphore_mem>>)
    %dma_start3A_82 = arith.constant 0 : i32
    %dma_start3A_83 = arith.constant 5 : i32
    %dma_start3A_84 = arith.constant 5 : i32
    %dma_start3A_85 = arith.constant 5 : i32
    %dma_start3A_86 = arith.constant 0 : i32
    %dma_start3A_87 = arith.constant 0 : i32
    %dma_start3A_88 = tpu.memref_slice %arg7[%dma_start3A_84, %dma_start3A_86, %dma_start3A_87] : memref<8x64x128xf32, #tpu.memory_space<vmem>> -> memref<1x64x128xf32, #tpu.memory_space<vmem>>
    %dma_start3A_89 = tpu.memref_squeeze %dma_start3A_88 : memref<1x64x128xf32, #tpu.memory_space<vmem>> -> memref<64x128xf32, #tpu.memory_space<vmem>>
    %dma_start3A_90 = arith.constant 0 : i32
    %dma_start3A_91 = tpu.memref_slice %arg6[%dma_start3A_82, %dma_start3A_83, %dma_start3A_90] : memref<2x8x64xi32, #tpu.memory_space<vmem>> -> memref<1x1x64xi32, #tpu.memory_space<vmem>>
    %dma_start3A_92 = tpu.memref_squeeze %dma_start3A_91 : memref<1x1x64xi32, #tpu.memory_space<vmem>> -> memref<64xi32, #tpu.memory_space<vmem>>
    %dma_start3A_93 = arith.constant 0 : i32
    %dma_start3A_94 = arith.constant 0 : i32
    %dma_start3A_95 = tpu.memref_slice %arg3[%dma_start3A_93, %dma_start3A_94] : memref<1000000x128xf32, #tpu.memory_space<hbm>> -> memref<1000000x128xf32, #tpu.memory_space<hbm>>
    %dma_start3A_96 = tpu.memref_slice %arg9[%dma_start3A_85] : memref<8x!tpu.dma_semaphore, #tpu.memory_space<semaphore_mem>> -> memref<1x!tpu.dma_semaphore, #tpu.memory_space<semaphore_mem>>
    %dma_start3A_97 = tpu.memref_squeeze %dma_start3A_96 : memref<1x!tpu.dma_semaphore, #tpu.memory_space<semaphore_mem>> -> memref<!tpu.dma_semaphore, #tpu.memory_space<semaphore_mem>>
    tpu.enqueue_indirect_dma source(%dma_start3A_95 : memref<1000000x128xf32, #tpu.memory_space<hbm>>) target(%dma_start3A_89 : memref<64x128xf32, #tpu.memory_space<vmem>>) offsets(%dma_start3A_92 : memref<64xi32, #tpu.memory_space<vmem>>) semaphore(%dma_start3A_97 : memref<!tpu.dma_semaphore, #tpu.memory_space<semaphore_mem>>)
    %dma_start3A_98 = arith.constant 0 : i32
    %dma_start3A_99 = arith.constant 6 : i32
    %dma_start3A_100 = arith.constant 6 : i32
    %dma_start3A_101 = arith.constant 6 : i32
    %dma_start3A_102 = arith.constant 0 : i32
    %dma_start3A_103 = arith.constant 0 : i32
    %dma_start3A_104 = tpu.memref_slice %arg7[%dma_start3A_100, %dma_start3A_102, %dma_start3A_103] : memref<8x64x128xf32, #tpu.memory_space<vmem>> -> memref<1x64x128xf32, #tpu.memory_space<vmem>>
    %dma_start3A_105 = tpu.memref_squeeze %dma_start3A_104 : memref<1x64x128xf32, #tpu.memory_space<vmem>> -> memref<64x128xf32, #tpu.memory_space<vmem>>
    %dma_start3A_106 = arith.constant 0 : i32
    %dma_start3A_107 = tpu.memref_slice %arg6[%dma_start3A_98, %dma_start3A_99, %dma_start3A_106] : memref<2x8x64xi32, #tpu.memory_space<vmem>> -> memref<1x1x64xi32, #tpu.memory_space<vmem>>
    %dma_start3A_108 = tpu.memref_squeeze %dma_start3A_107 : memref<1x1x64xi32, #tpu.memory_space<vmem>> -> memref<64xi32, #tpu.memory_space<vmem>>
    %dma_start3A_109 = arith.constant 0 : i32
    %dma_start3A_110 = arith.constant 0 : i32
    %dma_start3A_111 = tpu.memref_slice %arg3[%dma_start3A_109, %dma_start3A_110] : memref<1000000x128xf32, #tpu.memory_space<hbm>> -> memref<1000000x128xf32, #tpu.memory_space<hbm>>
    %dma_start3A_112 = tpu.memref_slice %arg9[%dma_start3A_101] : memref<8x!tpu.dma_semaphore, #tpu.memory_space<semaphore_mem>> -> memref<1x!tpu.dma_semaphore, #tpu.memory_space<semaphore_mem>>
    %dma_start3A_113 = tpu.memref_squeeze %dma_start3A_112 : memref<1x!tpu.dma_semaphore, #tpu.memory_space<semaphore_mem>> -> memref<!tpu.dma_semaphore, #tpu.memory_space<semaphore_mem>>
    tpu.enqueue_indirect_dma source(%dma_start3A_111 : memref<1000000x128xf32, #tpu.memory_space<hbm>>) target(%dma_start3A_105 : memref<64x128xf32, #tpu.memory_space<vmem>>) offsets(%dma_start3A_108 : memref<64xi32, #tpu.memory_space<vmem>>) semaphore(%dma_start3A_113 : memref<!tpu.dma_semaphore, #tpu.memory_space<semaphore_mem>>)
    %dma_start3A_114 = arith.constant 0 : i32
    %dma_start3A_115 = arith.constant 7 : i32
    %dma_start3A_116 = arith.constant 7 : i32
    %dma_start3A_117 = arith.constant 7 : i32
    %dma_start3A_118 = arith.constant 0 : i32
    %dma_start3A_119 = arith.constant 0 : i32
    %dma_start3A_120 = tpu.memref_slice %arg7[%dma_start3A_116, %dma_start3A_118, %dma_start3A_119] : memref<8x64x128xf32, #tpu.memory_space<vmem>> -> memref<1x64x128xf32, #tpu.memory_space<vmem>>
    %dma_start3A_121 = tpu.memref_squeeze %dma_start3A_120 : memref<1x64x128xf32, #tpu.memory_space<vmem>> -> memref<64x128xf32, #tpu.memory_space<vmem>>
    %dma_start3A_122 = arith.constant 0 : i32
    %dma_start3A_123 = tpu.memref_slice %arg6[%dma_start3A_114, %dma_start3A_115, %dma_start3A_122] : memref<2x8x64xi32, #tpu.memory_space<vmem>> -> memref<1x1x64xi32, #tpu.memory_space<vmem>>
    %dma_start3A_124 = tpu.memref_squeeze %dma_start3A_123 : memref<1x1x64xi32, #tpu.memory_space<vmem>> -> memref<64xi32, #tpu.memory_space<vmem>>
    %dma_start3A_125 = arith.constant 0 : i32
    %dma_start3A_126 = arith.constant 0 : i32
    %dma_start3A_127 = tpu.memref_slice %arg3[%dma_start3A_125, %dma_start3A_126] : memref<1000000x128xf32, #tpu.memory_space<hbm>> -> memref<1000000x128xf32, #tpu.memory_space<hbm>>
    %dma_start3A_128 = tpu.memref_slice %arg9[%dma_start3A_117] : memref<8x!tpu.dma_semaphore, #tpu.memory_space<semaphore_mem>> -> memref<1x!tpu.dma_semaphore, #tpu.memory_space<semaphore_mem>>
    %dma_start3A_129 = tpu.memref_squeeze %dma_start3A_128 : memref<1x!tpu.dma_semaphore, #tpu.memory_space<semaphore_mem>> -> memref<!tpu.dma_semaphore, #tpu.memory_space<semaphore_mem>>
    tpu.enqueue_indirect_dma source(%dma_start3A_127 : memref<1000000x128xf32, #tpu.memory_space<hbm>>) target(%dma_start3A_121 : memref<64x128xf32, #tpu.memory_space<vmem>>) offsets(%dma_start3A_124 : memref<64xi32, #tpu.memory_space<vmem>>) semaphore(%dma_start3A_129 : memref<!tpu.dma_semaphore, #tpu.memory_space<semaphore_mem>>)
    %eq3A = arith.constant 0 : i32
    %eq3A_130 = arith.cmpi eq, %arg1, %eq3A : i32
    %convert_element_type3A = arith.extui %eq3A_130 : i1 to i32
    %cond3A = arith.constant 0 : i32
    %cond3A_131 = arith.cmpi ne, %convert_element_type3A, %cond3A : i32
    scf.if %cond3A_131 {
      "tpu.region"() ({
        %run_scoped3A = tpu.sem_alloc : memref<!tpu.dma_semaphore, #tpu.memory_space<semaphore_mem>>
        tpu.enqueue_dma source(%arg4 : memref<512x128xf32, #tpu.memory_space<hbm>>) target(%arg8 : memref<512x128xf32, #tpu.memory_space<vmem_shared>>) target_semaphore(%run_scoped3A : memref<!tpu.dma_semaphore, #tpu.memory_space<semaphore_mem>>)
        tpu.wait_dma2 semaphore(%run_scoped3A : memref<!tpu.dma_semaphore, #tpu.memory_space<semaphore_mem>>) src(%arg4 : memref<512x128xf32, #tpu.memory_space<hbm>>) dst(%arg8 : memref<512x128xf32, #tpu.memory_space<vmem_shared>>)
        tpu.yield
      }) : () -> ()
    } else {
    }
    %barrier3A = arith.constant 0 : index
    tpu.barrier barrier_id(%barrier3A)
    %dma_wait3A = arith.constant 0 : i32
    %dma_wait3A_132 = arith.constant 0 : i32
    %dma_wait3A_133 = arith.constant 0 : i32
    %dma_wait3A_134 = arith.constant 0 : i32
    %dma_wait3A_135 = arith.constant 0 : i32
    %dma_wait3A_136 = arith.constant 0 : i32
    %dma_wait3A_137 = tpu.memref_slice %arg7[%dma_wait3A_133, %dma_wait3A_135, %dma_wait3A_136] : memref<8x64x128xf32, #tpu.memory_space<vmem>> -> memref<1x64x128xf32, #tpu.memory_space<vmem>>
    %dma_wait3A_138 = tpu.memref_squeeze %dma_wait3A_137 : memref<1x64x128xf32, #tpu.memory_space<vmem>> -> memref<64x128xf32, #tpu.memory_space<vmem>>
    %dma_wait3A_139 = arith.constant 0 : i32
    %dma_wait3A_140 = tpu.memref_slice %arg6[%dma_wait3A, %dma_wait3A_132, %dma_wait3A_139] : memref<2x8x64xi32, #tpu.memory_space<vmem>> -> memref<1x1x64xi32, #tpu.memory_space<vmem>>
    %dma_wait3A_141 = tpu.memref_squeeze %dma_wait3A_140 : memref<1x1x64xi32, #tpu.memory_space<vmem>> -> memref<64xi32, #tpu.memory_space<vmem>>
    %dma_wait3A_142 = arith.constant 0 : i32
    %dma_wait3A_143 = arith.constant 0 : i32
    %dma_wait3A_144 = tpu.memref_slice %arg3[%dma_wait3A_142, %dma_wait3A_143] : memref<1000000x128xf32, #tpu.memory_space<hbm>> -> memref<1000000x128xf32, #tpu.memory_space<hbm>>
    %dma_wait3A_145 = tpu.memref_slice %arg9[%dma_wait3A_134] : memref<8x!tpu.dma_semaphore, #tpu.memory_space<semaphore_mem>> -> memref<1x!tpu.dma_semaphore, #tpu.memory_space<semaphore_mem>>
    %dma_wait3A_146 = tpu.memref_squeeze %dma_wait3A_145 : memref<1x!tpu.dma_semaphore, #tpu.memory_space<semaphore_mem>> -> memref<!tpu.dma_semaphore, #tpu.memory_space<semaphore_mem>>
    tpu.wait_indirect_dma semaphore(%dma_wait3A_146 : memref<!tpu.dma_semaphore, #tpu.memory_space<semaphore_mem>>) src(%dma_wait3A_144 : memref<1000000x128xf32, #tpu.memory_space<hbm>>) dst(%dma_wait3A_138 : memref<64x128xf32, #tpu.memory_space<vmem>>)
    %dma_start3A_147 = arith.constant 1 : i32
    %dma_start3A_148 = arith.constant 0 : i32
    %dma_start3A_149 = arith.constant 0 : i32
    %dma_start3A_150 = arith.constant 0 : i32
    %dma_start3A_151 = arith.constant 0 : i32
    %dma_start3A_152 = arith.constant 0 : i32
    %dma_start3A_153 = tpu.memref_slice %arg7[%dma_start3A_149, %dma_start3A_151, %dma_start3A_152] : memref<8x64x128xf32, #tpu.memory_space<vmem>> -> memref<1x64x128xf32, #tpu.memory_space<vmem>>
    %dma_start3A_154 = tpu.memref_squeeze %dma_start3A_153 : memref<1x64x128xf32, #tpu.memory_space<vmem>> -> memref<64x128xf32, #tpu.memory_space<vmem>>
    %dma_start3A_155 = arith.constant 0 : i32
    %dma_start3A_156 = tpu.memref_slice %arg6[%dma_start3A_147, %dma_start3A_148, %dma_start3A_155] : memref<2x8x64xi32, #tpu.memory_space<vmem>> -> memref<1x1x64xi32, #tpu.memory_space<vmem>>
    %dma_start3A_157 = tpu.memref_squeeze %dma_start3A_156 : memref<1x1x64xi32, #tpu.memory_space<vmem>> -> memref<64xi32, #tpu.memory_space<vmem>>
    %dma_start3A_158 = arith.constant 0 : i32
    %dma_start3A_159 = arith.constant 0 : i32
    %dma_start3A_160 = tpu.memref_slice %arg8[%dma_start3A_158, %dma_start3A_159] : memref<512x128xf32, #tpu.memory_space<vmem_shared>> -> memref<512x128xf32, #tpu.memory_space<vmem_shared>>
    %dma_start3A_161 = tpu.memref_slice %arg10[%dma_start3A_150] : memref<8x!tpu.dma_semaphore, #tpu.memory_space<semaphore_mem>> -> memref<1x!tpu.dma_semaphore, #tpu.memory_space<semaphore_mem>>
    %dma_start3A_162 = tpu.memref_squeeze %dma_start3A_161 : memref<1x!tpu.dma_semaphore, #tpu.memory_space<semaphore_mem>> -> memref<!tpu.dma_semaphore, #tpu.memory_space<semaphore_mem>>
    tpu.enqueue_indirect_dma source(%dma_start3A_160 : memref<512x128xf32, #tpu.memory_space<vmem_shared>>) target(%dma_start3A_154 : memref<64x128xf32, #tpu.memory_space<vmem>>) offsets(%dma_start3A_157 : memref<64xi32, #tpu.memory_space<vmem>>) semaphore(%dma_start3A_162 : memref<!tpu.dma_semaphore, #tpu.memory_space<semaphore_mem>>) {add = true}
    %dma_wait3A_163 = arith.constant 0 : i32
    %dma_wait3A_164 = arith.constant 1 : i32
    %dma_wait3A_165 = arith.constant 1 : i32
    %dma_wait3A_166 = arith.constant 1 : i32
    %dma_wait3A_167 = arith.constant 0 : i32
    %dma_wait3A_168 = arith.constant 0 : i32
    %dma_wait3A_169 = tpu.memref_slice %arg7[%dma_wait3A_165, %dma_wait3A_167, %dma_wait3A_168] : memref<8x64x128xf32, #tpu.memory_space<vmem>> -> memref<1x64x128xf32, #tpu.memory_space<vmem>>
    %dma_wait3A_170 = tpu.memref_squeeze %dma_wait3A_169 : memref<1x64x128xf32, #tpu.memory_space<vmem>> -> memref<64x128xf32, #tpu.memory_space<vmem>>
    %dma_wait3A_171 = arith.constant 0 : i32
    %dma_wait3A_172 = tpu.memref_slice %arg6[%dma_wait3A_163, %dma_wait3A_164, %dma_wait3A_171] : memref<2x8x64xi32, #tpu.memory_space<vmem>> -> memref<1x1x64xi32, #tpu.memory_space<vmem>>
    %dma_wait3A_173 = tpu.memref_squeeze %dma_wait3A_172 : memref<1x1x64xi32, #tpu.memory_space<vmem>> -> memref<64xi32, #tpu.memory_space<vmem>>
    %dma_wait3A_174 = arith.constant 0 : i32
    %dma_wait3A_175 = arith.constant 0 : i32
    %dma_wait3A_176 = tpu.memref_slice %arg3[%dma_wait3A_174, %dma_wait3A_175] : memref<1000000x128xf32, #tpu.memory_space<hbm>> -> memref<1000000x128xf32, #tpu.memory_space<hbm>>
    %dma_wait3A_177 = tpu.memref_slice %arg9[%dma_wait3A_166] : memref<8x!tpu.dma_semaphore, #tpu.memory_space<semaphore_mem>> -> memref<1x!tpu.dma_semaphore, #tpu.memory_space<semaphore_mem>>
    %dma_wait3A_178 = tpu.memref_squeeze %dma_wait3A_177 : memref<1x!tpu.dma_semaphore, #tpu.memory_space<semaphore_mem>> -> memref<!tpu.dma_semaphore, #tpu.memory_space<semaphore_mem>>
    tpu.wait_indirect_dma semaphore(%dma_wait3A_178 : memref<!tpu.dma_semaphore, #tpu.memory_space<semaphore_mem>>) src(%dma_wait3A_176 : memref<1000000x128xf32, #tpu.memory_space<hbm>>) dst(%dma_wait3A_170 : memref<64x128xf32, #tpu.memory_space<vmem>>)
    %dma_start3A_179 = arith.constant 1 : i32
    %dma_start3A_180 = arith.constant 1 : i32
    %dma_start3A_181 = arith.constant 1 : i32
    %dma_start3A_182 = arith.constant 1 : i32
    %dma_start3A_183 = arith.constant 0 : i32
    %dma_start3A_184 = arith.constant 0 : i32
    %dma_start3A_185 = tpu.memref_slice %arg7[%dma_start3A_181, %dma_start3A_183, %dma_start3A_184] : memref<8x64x128xf32, #tpu.memory_space<vmem>> -> memref<1x64x128xf32, #tpu.memory_space<vmem>>
    %dma_start3A_186 = tpu.memref_squeeze %dma_start3A_185 : memref<1x64x128xf32, #tpu.memory_space<vmem>> -> memref<64x128xf32, #tpu.memory_space<vmem>>
    %dma_start3A_187 = arith.constant 0 : i32
    %dma_start3A_188 = tpu.memref_slice %arg6[%dma_start3A_179, %dma_start3A_180, %dma_start3A_187] : memref<2x8x64xi32, #tpu.memory_space<vmem>> -> memref<1x1x64xi32, #tpu.memory_space<vmem>>
    %dma_start3A_189 = tpu.memref_squeeze %dma_start3A_188 : memref<1x1x64xi32, #tpu.memory_space<vmem>> -> memref<64xi32, #tpu.memory_space<vmem>>
    %dma_start3A_190 = arith.constant 0 : i32
    %dma_start3A_191 = arith.constant 0 : i32
    %dma_start3A_192 = tpu.memref_slice %arg8[%dma_start3A_190, %dma_start3A_191] : memref<512x128xf32, #tpu.memory_space<vmem_shared>> -> memref<512x128xf32, #tpu.memory_space<vmem_shared>>
    %dma_start3A_193 = tpu.memref_slice %arg10[%dma_start3A_182] : memref<8x!tpu.dma_semaphore, #tpu.memory_space<semaphore_mem>> -> memref<1x!tpu.dma_semaphore, #tpu.memory_space<semaphore_mem>>
    %dma_start3A_194 = tpu.memref_squeeze %dma_start3A_193 : memref<1x!tpu.dma_semaphore, #tpu.memory_space<semaphore_mem>> -> memref<!tpu.dma_semaphore, #tpu.memory_space<semaphore_mem>>
    tpu.enqueue_indirect_dma source(%dma_start3A_192 : memref<512x128xf32, #tpu.memory_space<vmem_shared>>) target(%dma_start3A_186 : memref<64x128xf32, #tpu.memory_space<vmem>>) offsets(%dma_start3A_189 : memref<64xi32, #tpu.memory_space<vmem>>) semaphore(%dma_start3A_194 : memref<!tpu.dma_semaphore, #tpu.memory_space<semaphore_mem>>) {add = true}
    %dma_wait3A_195 = arith.constant 0 : i32
    %dma_wait3A_196 = arith.constant 2 : i32
    %dma_wait3A_197 = arith.constant 2 : i32
    %dma_wait3A_198 = arith.constant 2 : i32
    %dma_wait3A_199 = arith.constant 0 : i32
    %dma_wait3A_200 = arith.constant 0 : i32
    %dma_wait3A_201 = tpu.memref_slice %arg7[%dma_wait3A_197, %dma_wait3A_199, %dma_wait3A_200] : memref<8x64x128xf32, #tpu.memory_space<vmem>> -> memref<1x64x128xf32, #tpu.memory_space<vmem>>
    %dma_wait3A_202 = tpu.memref_squeeze %dma_wait3A_201 : memref<1x64x128xf32, #tpu.memory_space<vmem>> -> memref<64x128xf32, #tpu.memory_space<vmem>>
    %dma_wait3A_203 = arith.constant 0 : i32
    %dma_wait3A_204 = tpu.memref_slice %arg6[%dma_wait3A_195, %dma_wait3A_196, %dma_wait3A_203] : memref<2x8x64xi32, #tpu.memory_space<vmem>> -> memref<1x1x64xi32, #tpu.memory_space<vmem>>
    %dma_wait3A_205 = tpu.memref_squeeze %dma_wait3A_204 : memref<1x1x64xi32, #tpu.memory_space<vmem>> -> memref<64xi32, #tpu.memory_space<vmem>>
    %dma_wait3A_206 = arith.constant 0 : i32
    %dma_wait3A_207 = arith.constant 0 : i32
    %dma_wait3A_208 = tpu.memref_slice %arg3[%dma_wait3A_206, %dma_wait3A_207] : memref<1000000x128xf32, #tpu.memory_space<hbm>> -> memref<1000000x128xf32, #tpu.memory_space<hbm>>
    %dma_wait3A_209 = tpu.memref_slice %arg9[%dma_wait3A_198] : memref<8x!tpu.dma_semaphore, #tpu.memory_space<semaphore_mem>> -> memref<1x!tpu.dma_semaphore, #tpu.memory_space<semaphore_mem>>
    %dma_wait3A_210 = tpu.memref_squeeze %dma_wait3A_209 : memref<1x!tpu.dma_semaphore, #tpu.memory_space<semaphore_mem>> -> memref<!tpu.dma_semaphore, #tpu.memory_space<semaphore_mem>>
    tpu.wait_indirect_dma semaphore(%dma_wait3A_210 : memref<!tpu.dma_semaphore, #tpu.memory_space<semaphore_mem>>) src(%dma_wait3A_208 : memref<1000000x128xf32, #tpu.memory_space<hbm>>) dst(%dma_wait3A_202 : memref<64x128xf32, #tpu.memory_space<vmem>>)
    %dma_start3A_211 = arith.constant 1 : i32
    %dma_start3A_212 = arith.constant 2 : i32
    %dma_start3A_213 = arith.constant 2 : i32
    %dma_start3A_214 = arith.constant 2 : i32
    %dma_start3A_215 = arith.constant 0 : i32
    %dma_start3A_216 = arith.constant 0 : i32
    %dma_start3A_217 = tpu.memref_slice %arg7[%dma_start3A_213, %dma_start3A_215, %dma_start3A_216] : memref<8x64x128xf32, #tpu.memory_space<vmem>> -> memref<1x64x128xf32, #tpu.memory_space<vmem>>
    %dma_start3A_218 = tpu.memref_squeeze %dma_start3A_217 : memref<1x64x128xf32, #tpu.memory_space<vmem>> -> memref<64x128xf32, #tpu.memory_space<vmem>>
    %dma_start3A_219 = arith.constant 0 : i32
    %dma_start3A_220 = tpu.memref_slice %arg6[%dma_start3A_211, %dma_start3A_212, %dma_start3A_219] : memref<2x8x64xi32, #tpu.memory_space<vmem>> -> memref<1x1x64xi32, #tpu.memory_space<vmem>>
    %dma_start3A_221 = tpu.memref_squeeze %dma_start3A_220 : memref<1x1x64xi32, #tpu.memory_space<vmem>> -> memref<64xi32, #tpu.memory_space<vmem>>
    %dma_start3A_222 = arith.constant 0 : i32
    %dma_start3A_223 = arith.constant 0 : i32
    %dma_start3A_224 = tpu.memref_slice %arg8[%dma_start3A_222, %dma_start3A_223] : memref<512x128xf32, #tpu.memory_space<vmem_shared>> -> memref<512x128xf32, #tpu.memory_space<vmem_shared>>
    %dma_start3A_225 = tpu.memref_slice %arg10[%dma_start3A_214] : memref<8x!tpu.dma_semaphore, #tpu.memory_space<semaphore_mem>> -> memref<1x!tpu.dma_semaphore, #tpu.memory_space<semaphore_mem>>
    %dma_start3A_226 = tpu.memref_squeeze %dma_start3A_225 : memref<1x!tpu.dma_semaphore, #tpu.memory_space<semaphore_mem>> -> memref<!tpu.dma_semaphore, #tpu.memory_space<semaphore_mem>>
    tpu.enqueue_indirect_dma source(%dma_start3A_224 : memref<512x128xf32, #tpu.memory_space<vmem_shared>>) target(%dma_start3A_218 : memref<64x128xf32, #tpu.memory_space<vmem>>) offsets(%dma_start3A_221 : memref<64xi32, #tpu.memory_space<vmem>>) semaphore(%dma_start3A_226 : memref<!tpu.dma_semaphore, #tpu.memory_space<semaphore_mem>>) {add = true}
    %dma_wait3A_227 = arith.constant 0 : i32
    %dma_wait3A_228 = arith.constant 3 : i32
    %dma_wait3A_229 = arith.constant 3 : i32
    %dma_wait3A_230 = arith.constant 3 : i32
    %dma_wait3A_231 = arith.constant 0 : i32
    %dma_wait3A_232 = arith.constant 0 : i32
    %dma_wait3A_233 = tpu.memref_slice %arg7[%dma_wait3A_229, %dma_wait3A_231, %dma_wait3A_232] : memref<8x64x128xf32, #tpu.memory_space<vmem>> -> memref<1x64x128xf32, #tpu.memory_space<vmem>>
    %dma_wait3A_234 = tpu.memref_squeeze %dma_wait3A_233 : memref<1x64x128xf32, #tpu.memory_space<vmem>> -> memref<64x128xf32, #tpu.memory_space<vmem>>
    %dma_wait3A_235 = arith.constant 0 : i32
    %dma_wait3A_236 = tpu.memref_slice %arg6[%dma_wait3A_227, %dma_wait3A_228, %dma_wait3A_235] : memref<2x8x64xi32, #tpu.memory_space<vmem>> -> memref<1x1x64xi32, #tpu.memory_space<vmem>>
    %dma_wait3A_237 = tpu.memref_squeeze %dma_wait3A_236 : memref<1x1x64xi32, #tpu.memory_space<vmem>> -> memref<64xi32, #tpu.memory_space<vmem>>
    %dma_wait3A_238 = arith.constant 0 : i32
    %dma_wait3A_239 = arith.constant 0 : i32
    %dma_wait3A_240 = tpu.memref_slice %arg3[%dma_wait3A_238, %dma_wait3A_239] : memref<1000000x128xf32, #tpu.memory_space<hbm>> -> memref<1000000x128xf32, #tpu.memory_space<hbm>>
    %dma_wait3A_241 = tpu.memref_slice %arg9[%dma_wait3A_230] : memref<8x!tpu.dma_semaphore, #tpu.memory_space<semaphore_mem>> -> memref<1x!tpu.dma_semaphore, #tpu.memory_space<semaphore_mem>>
    %dma_wait3A_242 = tpu.memref_squeeze %dma_wait3A_241 : memref<1x!tpu.dma_semaphore, #tpu.memory_space<semaphore_mem>> -> memref<!tpu.dma_semaphore, #tpu.memory_space<semaphore_mem>>
    tpu.wait_indirect_dma semaphore(%dma_wait3A_242 : memref<!tpu.dma_semaphore, #tpu.memory_space<semaphore_mem>>) src(%dma_wait3A_240 : memref<1000000x128xf32, #tpu.memory_space<hbm>>) dst(%dma_wait3A_234 : memref<64x128xf32, #tpu.memory_space<vmem>>)
    %dma_start3A_243 = arith.constant 1 : i32
    %dma_start3A_244 = arith.constant 3 : i32
    %dma_start3A_245 = arith.constant 3 : i32
    %dma_start3A_246 = arith.constant 3 : i32
    %dma_start3A_247 = arith.constant 0 : i32
    %dma_start3A_248 = arith.constant 0 : i32
    %dma_start3A_249 = tpu.memref_slice %arg7[%dma_start3A_245, %dma_start3A_247, %dma_start3A_248] : memref<8x64x128xf32, #tpu.memory_space<vmem>> -> memref<1x64x128xf32, #tpu.memory_space<vmem>>
    %dma_start3A_250 = tpu.memref_squeeze %dma_start3A_249 : memref<1x64x128xf32, #tpu.memory_space<vmem>> -> memref<64x128xf32, #tpu.memory_space<vmem>>
    %dma_start3A_251 = arith.constant 0 : i32
    %dma_start3A_252 = tpu.memref_slice %arg6[%dma_start3A_243, %dma_start3A_244, %dma_start3A_251] : memref<2x8x64xi32, #tpu.memory_space<vmem>> -> memref<1x1x64xi32, #tpu.memory_space<vmem>>
    %dma_start3A_253 = tpu.memref_squeeze %dma_start3A_252 : memref<1x1x64xi32, #tpu.memory_space<vmem>> -> memref<64xi32, #tpu.memory_space<vmem>>
    %dma_start3A_254 = arith.constant 0 : i32
    %dma_start3A_255 = arith.constant 0 : i32
    %dma_start3A_256 = tpu.memref_slice %arg8[%dma_start3A_254, %dma_start3A_255] : memref<512x128xf32, #tpu.memory_space<vmem_shared>> -> memref<512x128xf32, #tpu.memory_space<vmem_shared>>
    %dma_start3A_257 = tpu.memref_slice %arg10[%dma_start3A_246] : memref<8x!tpu.dma_semaphore, #tpu.memory_space<semaphore_mem>> -> memref<1x!tpu.dma_semaphore, #tpu.memory_space<semaphore_mem>>
    %dma_start3A_258 = tpu.memref_squeeze %dma_start3A_257 : memref<1x!tpu.dma_semaphore, #tpu.memory_space<semaphore_mem>> -> memref<!tpu.dma_semaphore, #tpu.memory_space<semaphore_mem>>
    tpu.enqueue_indirect_dma source(%dma_start3A_256 : memref<512x128xf32, #tpu.memory_space<vmem_shared>>) target(%dma_start3A_250 : memref<64x128xf32, #tpu.memory_space<vmem>>) offsets(%dma_start3A_253 : memref<64xi32, #tpu.memory_space<vmem>>) semaphore(%dma_start3A_258 : memref<!tpu.dma_semaphore, #tpu.memory_space<semaphore_mem>>) {add = true}
    %dma_wait3A_259 = arith.constant 0 : i32
    %dma_wait3A_260 = arith.constant 4 : i32
    %dma_wait3A_261 = arith.constant 4 : i32
    %dma_wait3A_262 = arith.constant 4 : i32
    %dma_wait3A_263 = arith.constant 0 : i32
    %dma_wait3A_264 = arith.constant 0 : i32
    %dma_wait3A_265 = tpu.memref_slice %arg7[%dma_wait3A_261, %dma_wait3A_263, %dma_wait3A_264] : memref<8x64x128xf32, #tpu.memory_space<vmem>> -> memref<1x64x128xf32, #tpu.memory_space<vmem>>
    %dma_wait3A_266 = tpu.memref_squeeze %dma_wait3A_265 : memref<1x64x128xf32, #tpu.memory_space<vmem>> -> memref<64x128xf32, #tpu.memory_space<vmem>>
    %dma_wait3A_267 = arith.constant 0 : i32
    %dma_wait3A_268 = tpu.memref_slice %arg6[%dma_wait3A_259, %dma_wait3A_260, %dma_wait3A_267] : memref<2x8x64xi32, #tpu.memory_space<vmem>> -> memref<1x1x64xi32, #tpu.memory_space<vmem>>
    %dma_wait3A_269 = tpu.memref_squeeze %dma_wait3A_268 : memref<1x1x64xi32, #tpu.memory_space<vmem>> -> memref<64xi32, #tpu.memory_space<vmem>>
    %dma_wait3A_270 = arith.constant 0 : i32
    %dma_wait3A_271 = arith.constant 0 : i32
    %dma_wait3A_272 = tpu.memref_slice %arg3[%dma_wait3A_270, %dma_wait3A_271] : memref<1000000x128xf32, #tpu.memory_space<hbm>> -> memref<1000000x128xf32, #tpu.memory_space<hbm>>
    %dma_wait3A_273 = tpu.memref_slice %arg9[%dma_wait3A_262] : memref<8x!tpu.dma_semaphore, #tpu.memory_space<semaphore_mem>> -> memref<1x!tpu.dma_semaphore, #tpu.memory_space<semaphore_mem>>
    %dma_wait3A_274 = tpu.memref_squeeze %dma_wait3A_273 : memref<1x!tpu.dma_semaphore, #tpu.memory_space<semaphore_mem>> -> memref<!tpu.dma_semaphore, #tpu.memory_space<semaphore_mem>>
    tpu.wait_indirect_dma semaphore(%dma_wait3A_274 : memref<!tpu.dma_semaphore, #tpu.memory_space<semaphore_mem>>) src(%dma_wait3A_272 : memref<1000000x128xf32, #tpu.memory_space<hbm>>) dst(%dma_wait3A_266 : memref<64x128xf32, #tpu.memory_space<vmem>>)
    %dma_start3A_275 = arith.constant 1 : i32
    %dma_start3A_276 = arith.constant 4 : i32
    %dma_start3A_277 = arith.constant 4 : i32
    %dma_start3A_278 = arith.constant 4 : i32
    %dma_start3A_279 = arith.constant 0 : i32
    %dma_start3A_280 = arith.constant 0 : i32
    %dma_start3A_281 = tpu.memref_slice %arg7[%dma_start3A_277, %dma_start3A_279, %dma_start3A_280] : memref<8x64x128xf32, #tpu.memory_space<vmem>> -> memref<1x64x128xf32, #tpu.memory_space<vmem>>
    %dma_start3A_282 = tpu.memref_squeeze %dma_start3A_281 : memref<1x64x128xf32, #tpu.memory_space<vmem>> -> memref<64x128xf32, #tpu.memory_space<vmem>>
    %dma_start3A_283 = arith.constant 0 : i32
    %dma_start3A_284 = tpu.memref_slice %arg6[%dma_start3A_275, %dma_start3A_276, %dma_start3A_283] : memref<2x8x64xi32, #tpu.memory_space<vmem>> -> memref<1x1x64xi32, #tpu.memory_space<vmem>>
    %dma_start3A_285 = tpu.memref_squeeze %dma_start3A_284 : memref<1x1x64xi32, #tpu.memory_space<vmem>> -> memref<64xi32, #tpu.memory_space<vmem>>
    %dma_start3A_286 = arith.constant 0 : i32
    %dma_start3A_287 = arith.constant 0 : i32
    %dma_start3A_288 = tpu.memref_slice %arg8[%dma_start3A_286, %dma_start3A_287] : memref<512x128xf32, #tpu.memory_space<vmem_shared>> -> memref<512x128xf32, #tpu.memory_space<vmem_shared>>
    %dma_start3A_289 = tpu.memref_slice %arg10[%dma_start3A_278] : memref<8x!tpu.dma_semaphore, #tpu.memory_space<semaphore_mem>> -> memref<1x!tpu.dma_semaphore, #tpu.memory_space<semaphore_mem>>
    %dma_start3A_290 = tpu.memref_squeeze %dma_start3A_289 : memref<1x!tpu.dma_semaphore, #tpu.memory_space<semaphore_mem>> -> memref<!tpu.dma_semaphore, #tpu.memory_space<semaphore_mem>>
    tpu.enqueue_indirect_dma source(%dma_start3A_288 : memref<512x128xf32, #tpu.memory_space<vmem_shared>>) target(%dma_start3A_282 : memref<64x128xf32, #tpu.memory_space<vmem>>) offsets(%dma_start3A_285 : memref<64xi32, #tpu.memory_space<vmem>>) semaphore(%dma_start3A_290 : memref<!tpu.dma_semaphore, #tpu.memory_space<semaphore_mem>>) {add = true}
    %dma_wait3A_291 = arith.constant 0 : i32
    %dma_wait3A_292 = arith.constant 5 : i32
    %dma_wait3A_293 = arith.constant 5 : i32
    %dma_wait3A_294 = arith.constant 5 : i32
    %dma_wait3A_295 = arith.constant 0 : i32
    %dma_wait3A_296 = arith.constant 0 : i32
    %dma_wait3A_297 = tpu.memref_slice %arg7[%dma_wait3A_293, %dma_wait3A_295, %dma_wait3A_296] : memref<8x64x128xf32, #tpu.memory_space<vmem>> -> memref<1x64x128xf32, #tpu.memory_space<vmem>>
    %dma_wait3A_298 = tpu.memref_squeeze %dma_wait3A_297 : memref<1x64x128xf32, #tpu.memory_space<vmem>> -> memref<64x128xf32, #tpu.memory_space<vmem>>
    %dma_wait3A_299 = arith.constant 0 : i32
    %dma_wait3A_300 = tpu.memref_slice %arg6[%dma_wait3A_291, %dma_wait3A_292, %dma_wait3A_299] : memref<2x8x64xi32, #tpu.memory_space<vmem>> -> memref<1x1x64xi32, #tpu.memory_space<vmem>>
    %dma_wait3A_301 = tpu.memref_squeeze %dma_wait3A_300 : memref<1x1x64xi32, #tpu.memory_space<vmem>> -> memref<64xi32, #tpu.memory_space<vmem>>
    %dma_wait3A_302 = arith.constant 0 : i32
    %dma_wait3A_303 = arith.constant 0 : i32
    %dma_wait3A_304 = tpu.memref_slice %arg3[%dma_wait3A_302, %dma_wait3A_303] : memref<1000000x128xf32, #tpu.memory_space<hbm>> -> memref<1000000x128xf32, #tpu.memory_space<hbm>>
    %dma_wait3A_305 = tpu.memref_slice %arg9[%dma_wait3A_294] : memref<8x!tpu.dma_semaphore, #tpu.memory_space<semaphore_mem>> -> memref<1x!tpu.dma_semaphore, #tpu.memory_space<semaphore_mem>>
    %dma_wait3A_306 = tpu.memref_squeeze %dma_wait3A_305 : memref<1x!tpu.dma_semaphore, #tpu.memory_space<semaphore_mem>> -> memref<!tpu.dma_semaphore, #tpu.memory_space<semaphore_mem>>
    tpu.wait_indirect_dma semaphore(%dma_wait3A_306 : memref<!tpu.dma_semaphore, #tpu.memory_space<semaphore_mem>>) src(%dma_wait3A_304 : memref<1000000x128xf32, #tpu.memory_space<hbm>>) dst(%dma_wait3A_298 : memref<64x128xf32, #tpu.memory_space<vmem>>)
    %dma_start3A_307 = arith.constant 1 : i32
    %dma_start3A_308 = arith.constant 5 : i32
    %dma_start3A_309 = arith.constant 5 : i32
    %dma_start3A_310 = arith.constant 5 : i32
    %dma_start3A_311 = arith.constant 0 : i32
    %dma_start3A_312 = arith.constant 0 : i32
    %dma_start3A_313 = tpu.memref_slice %arg7[%dma_start3A_309, %dma_start3A_311, %dma_start3A_312] : memref<8x64x128xf32, #tpu.memory_space<vmem>> -> memref<1x64x128xf32, #tpu.memory_space<vmem>>
    %dma_start3A_314 = tpu.memref_squeeze %dma_start3A_313 : memref<1x64x128xf32, #tpu.memory_space<vmem>> -> memref<64x128xf32, #tpu.memory_space<vmem>>
    %dma_start3A_315 = arith.constant 0 : i32
    %dma_start3A_316 = tpu.memref_slice %arg6[%dma_start3A_307, %dma_start3A_308, %dma_start3A_315] : memref<2x8x64xi32, #tpu.memory_space<vmem>> -> memref<1x1x64xi32, #tpu.memory_space<vmem>>
    %dma_start3A_317 = tpu.memref_squeeze %dma_start3A_316 : memref<1x1x64xi32, #tpu.memory_space<vmem>> -> memref<64xi32, #tpu.memory_space<vmem>>
    %dma_start3A_318 = arith.constant 0 : i32
    %dma_start3A_319 = arith.constant 0 : i32
    %dma_start3A_320 = tpu.memref_slice %arg8[%dma_start3A_318, %dma_start3A_319] : memref<512x128xf32, #tpu.memory_space<vmem_shared>> -> memref<512x128xf32, #tpu.memory_space<vmem_shared>>
    %dma_start3A_321 = tpu.memref_slice %arg10[%dma_start3A_310] : memref<8x!tpu.dma_semaphore, #tpu.memory_space<semaphore_mem>> -> memref<1x!tpu.dma_semaphore, #tpu.memory_space<semaphore_mem>>
    %dma_start3A_322 = tpu.memref_squeeze %dma_start3A_321 : memref<1x!tpu.dma_semaphore, #tpu.memory_space<semaphore_mem>> -> memref<!tpu.dma_semaphore, #tpu.memory_space<semaphore_mem>>
    tpu.enqueue_indirect_dma source(%dma_start3A_320 : memref<512x128xf32, #tpu.memory_space<vmem_shared>>) target(%dma_start3A_314 : memref<64x128xf32, #tpu.memory_space<vmem>>) offsets(%dma_start3A_317 : memref<64xi32, #tpu.memory_space<vmem>>) semaphore(%dma_start3A_322 : memref<!tpu.dma_semaphore, #tpu.memory_space<semaphore_mem>>) {add = true}
    %dma_wait3A_323 = arith.constant 0 : i32
    %dma_wait3A_324 = arith.constant 6 : i32
    %dma_wait3A_325 = arith.constant 6 : i32
    %dma_wait3A_326 = arith.constant 6 : i32
    %dma_wait3A_327 = arith.constant 0 : i32
    %dma_wait3A_328 = arith.constant 0 : i32
    %dma_wait3A_329 = tpu.memref_slice %arg7[%dma_wait3A_325, %dma_wait3A_327, %dma_wait3A_328] : memref<8x64x128xf32, #tpu.memory_space<vmem>> -> memref<1x64x128xf32, #tpu.memory_space<vmem>>
    %dma_wait3A_330 = tpu.memref_squeeze %dma_wait3A_329 : memref<1x64x128xf32, #tpu.memory_space<vmem>> -> memref<64x128xf32, #tpu.memory_space<vmem>>
    %dma_wait3A_331 = arith.constant 0 : i32
    %dma_wait3A_332 = tpu.memref_slice %arg6[%dma_wait3A_323, %dma_wait3A_324, %dma_wait3A_331] : memref<2x8x64xi32, #tpu.memory_space<vmem>> -> memref<1x1x64xi32, #tpu.memory_space<vmem>>
    %dma_wait3A_333 = tpu.memref_squeeze %dma_wait3A_332 : memref<1x1x64xi32, #tpu.memory_space<vmem>> -> memref<64xi32, #tpu.memory_space<vmem>>
    %dma_wait3A_334 = arith.constant 0 : i32
    %dma_wait3A_335 = arith.constant 0 : i32
    %dma_wait3A_336 = tpu.memref_slice %arg3[%dma_wait3A_334, %dma_wait3A_335] : memref<1000000x128xf32, #tpu.memory_space<hbm>> -> memref<1000000x128xf32, #tpu.memory_space<hbm>>
    %dma_wait3A_337 = tpu.memref_slice %arg9[%dma_wait3A_326] : memref<8x!tpu.dma_semaphore, #tpu.memory_space<semaphore_mem>> -> memref<1x!tpu.dma_semaphore, #tpu.memory_space<semaphore_mem>>
    %dma_wait3A_338 = tpu.memref_squeeze %dma_wait3A_337 : memref<1x!tpu.dma_semaphore, #tpu.memory_space<semaphore_mem>> -> memref<!tpu.dma_semaphore, #tpu.memory_space<semaphore_mem>>
    tpu.wait_indirect_dma semaphore(%dma_wait3A_338 : memref<!tpu.dma_semaphore, #tpu.memory_space<semaphore_mem>>) src(%dma_wait3A_336 : memref<1000000x128xf32, #tpu.memory_space<hbm>>) dst(%dma_wait3A_330 : memref<64x128xf32, #tpu.memory_space<vmem>>)
    %dma_start3A_339 = arith.constant 1 : i32
    %dma_start3A_340 = arith.constant 6 : i32
    %dma_start3A_341 = arith.constant 6 : i32
    %dma_start3A_342 = arith.constant 6 : i32
    %dma_start3A_343 = arith.constant 0 : i32
    %dma_start3A_344 = arith.constant 0 : i32
    %dma_start3A_345 = tpu.memref_slice %arg7[%dma_start3A_341, %dma_start3A_343, %dma_start3A_344] : memref<8x64x128xf32, #tpu.memory_space<vmem>> -> memref<1x64x128xf32, #tpu.memory_space<vmem>>
    %dma_start3A_346 = tpu.memref_squeeze %dma_start3A_345 : memref<1x64x128xf32, #tpu.memory_space<vmem>> -> memref<64x128xf32, #tpu.memory_space<vmem>>
    %dma_start3A_347 = arith.constant 0 : i32
    %dma_start3A_348 = tpu.memref_slice %arg6[%dma_start3A_339, %dma_start3A_340, %dma_start3A_347] : memref<2x8x64xi32, #tpu.memory_space<vmem>> -> memref<1x1x64xi32, #tpu.memory_space<vmem>>
    %dma_start3A_349 = tpu.memref_squeeze %dma_start3A_348 : memref<1x1x64xi32, #tpu.memory_space<vmem>> -> memref<64xi32, #tpu.memory_space<vmem>>
    %dma_start3A_350 = arith.constant 0 : i32
    %dma_start3A_351 = arith.constant 0 : i32
    %dma_start3A_352 = tpu.memref_slice %arg8[%dma_start3A_350, %dma_start3A_351] : memref<512x128xf32, #tpu.memory_space<vmem_shared>> -> memref<512x128xf32, #tpu.memory_space<vmem_shared>>
    %dma_start3A_353 = tpu.memref_slice %arg10[%dma_start3A_342] : memref<8x!tpu.dma_semaphore, #tpu.memory_space<semaphore_mem>> -> memref<1x!tpu.dma_semaphore, #tpu.memory_space<semaphore_mem>>
    %dma_start3A_354 = tpu.memref_squeeze %dma_start3A_353 : memref<1x!tpu.dma_semaphore, #tpu.memory_space<semaphore_mem>> -> memref<!tpu.dma_semaphore, #tpu.memory_space<semaphore_mem>>
    tpu.enqueue_indirect_dma source(%dma_start3A_352 : memref<512x128xf32, #tpu.memory_space<vmem_shared>>) target(%dma_start3A_346 : memref<64x128xf32, #tpu.memory_space<vmem>>) offsets(%dma_start3A_349 : memref<64xi32, #tpu.memory_space<vmem>>) semaphore(%dma_start3A_354 : memref<!tpu.dma_semaphore, #tpu.memory_space<semaphore_mem>>) {add = true}
    %dma_wait3A_355 = arith.constant 0 : i32
    %dma_wait3A_356 = arith.constant 7 : i32
    %dma_wait3A_357 = arith.constant 7 : i32
    %dma_wait3A_358 = arith.constant 7 : i32
    %dma_wait3A_359 = arith.constant 0 : i32
    %dma_wait3A_360 = arith.constant 0 : i32
    %dma_wait3A_361 = tpu.memref_slice %arg7[%dma_wait3A_357, %dma_wait3A_359, %dma_wait3A_360] : memref<8x64x128xf32, #tpu.memory_space<vmem>> -> memref<1x64x128xf32, #tpu.memory_space<vmem>>
    %dma_wait3A_362 = tpu.memref_squeeze %dma_wait3A_361 : memref<1x64x128xf32, #tpu.memory_space<vmem>> -> memref<64x128xf32, #tpu.memory_space<vmem>>
    %dma_wait3A_363 = arith.constant 0 : i32
    %dma_wait3A_364 = tpu.memref_slice %arg6[%dma_wait3A_355, %dma_wait3A_356, %dma_wait3A_363] : memref<2x8x64xi32, #tpu.memory_space<vmem>> -> memref<1x1x64xi32, #tpu.memory_space<vmem>>
    %dma_wait3A_365 = tpu.memref_squeeze %dma_wait3A_364 : memref<1x1x64xi32, #tpu.memory_space<vmem>> -> memref<64xi32, #tpu.memory_space<vmem>>
    %dma_wait3A_366 = arith.constant 0 : i32
    %dma_wait3A_367 = arith.constant 0 : i32
    %dma_wait3A_368 = tpu.memref_slice %arg3[%dma_wait3A_366, %dma_wait3A_367] : memref<1000000x128xf32, #tpu.memory_space<hbm>> -> memref<1000000x128xf32, #tpu.memory_space<hbm>>
    %dma_wait3A_369 = tpu.memref_slice %arg9[%dma_wait3A_358] : memref<8x!tpu.dma_semaphore, #tpu.memory_space<semaphore_mem>> -> memref<1x!tpu.dma_semaphore, #tpu.memory_space<semaphore_mem>>
    %dma_wait3A_370 = tpu.memref_squeeze %dma_wait3A_369 : memref<1x!tpu.dma_semaphore, #tpu.memory_space<semaphore_mem>> -> memref<!tpu.dma_semaphore, #tpu.memory_space<semaphore_mem>>
    tpu.wait_indirect_dma semaphore(%dma_wait3A_370 : memref<!tpu.dma_semaphore, #tpu.memory_space<semaphore_mem>>) src(%dma_wait3A_368 : memref<1000000x128xf32, #tpu.memory_space<hbm>>) dst(%dma_wait3A_362 : memref<64x128xf32, #tpu.memory_space<vmem>>)
    %dma_start3A_371 = arith.constant 1 : i32
    %dma_start3A_372 = arith.constant 7 : i32
    %dma_start3A_373 = arith.constant 7 : i32
    %dma_start3A_374 = arith.constant 7 : i32
    %dma_start3A_375 = arith.constant 0 : i32
    %dma_start3A_376 = arith.constant 0 : i32
    %dma_start3A_377 = tpu.memref_slice %arg7[%dma_start3A_373, %dma_start3A_375, %dma_start3A_376] : memref<8x64x128xf32, #tpu.memory_space<vmem>> -> memref<1x64x128xf32, #tpu.memory_space<vmem>>
    %dma_start3A_378 = tpu.memref_squeeze %dma_start3A_377 : memref<1x64x128xf32, #tpu.memory_space<vmem>> -> memref<64x128xf32, #tpu.memory_space<vmem>>
    %dma_start3A_379 = arith.constant 0 : i32
    %dma_start3A_380 = tpu.memref_slice %arg6[%dma_start3A_371, %dma_start3A_372, %dma_start3A_379] : memref<2x8x64xi32, #tpu.memory_space<vmem>> -> memref<1x1x64xi32, #tpu.memory_space<vmem>>
    %dma_start3A_381 = tpu.memref_squeeze %dma_start3A_380 : memref<1x1x64xi32, #tpu.memory_space<vmem>> -> memref<64xi32, #tpu.memory_space<vmem>>
    %dma_start3A_382 = arith.constant 0 : i32
    %dma_start3A_383 = arith.constant 0 : i32
    %dma_start3A_384 = tpu.memref_slice %arg8[%dma_start3A_382, %dma_start3A_383] : memref<512x128xf32, #tpu.memory_space<vmem_shared>> -> memref<512x128xf32, #tpu.memory_space<vmem_shared>>
    %dma_start3A_385 = tpu.memref_slice %arg10[%dma_start3A_374] : memref<8x!tpu.dma_semaphore, #tpu.memory_space<semaphore_mem>> -> memref<1x!tpu.dma_semaphore, #tpu.memory_space<semaphore_mem>>
    %dma_start3A_386 = tpu.memref_squeeze %dma_start3A_385 : memref<1x!tpu.dma_semaphore, #tpu.memory_space<semaphore_mem>> -> memref<!tpu.dma_semaphore, #tpu.memory_space<semaphore_mem>>
    tpu.enqueue_indirect_dma source(%dma_start3A_384 : memref<512x128xf32, #tpu.memory_space<vmem_shared>>) target(%dma_start3A_378 : memref<64x128xf32, #tpu.memory_space<vmem>>) offsets(%dma_start3A_381 : memref<64xi32, #tpu.memory_space<vmem>>) semaphore(%dma_start3A_386 : memref<!tpu.dma_semaphore, #tpu.memory_space<semaphore_mem>>) {add = true}
    %dma_wait3A_387 = arith.constant 1 : i32
    %dma_wait3A_388 = arith.constant 0 : i32
    %dma_wait3A_389 = arith.constant 0 : i32
    %dma_wait3A_390 = arith.constant 0 : i32
    %dma_wait3A_391 = arith.constant 0 : i32
    %dma_wait3A_392 = arith.constant 0 : i32
    %dma_wait3A_393 = tpu.memref_slice %arg7[%dma_wait3A_389, %dma_wait3A_391, %dma_wait3A_392] : memref<8x64x128xf32, #tpu.memory_space<vmem>> -> memref<1x64x128xf32, #tpu.memory_space<vmem>>
    %dma_wait3A_394 = tpu.memref_squeeze %dma_wait3A_393 : memref<1x64x128xf32, #tpu.memory_space<vmem>> -> memref<64x128xf32, #tpu.memory_space<vmem>>
    %dma_wait3A_395 = arith.constant 0 : i32
    %dma_wait3A_396 = tpu.memref_slice %arg6[%dma_wait3A_387, %dma_wait3A_388, %dma_wait3A_395] : memref<2x8x64xi32, #tpu.memory_space<vmem>> -> memref<1x1x64xi32, #tpu.memory_space<vmem>>
    %dma_wait3A_397 = tpu.memref_squeeze %dma_wait3A_396 : memref<1x1x64xi32, #tpu.memory_space<vmem>> -> memref<64xi32, #tpu.memory_space<vmem>>
    %dma_wait3A_398 = arith.constant 0 : i32
    %dma_wait3A_399 = arith.constant 0 : i32
    %dma_wait3A_400 = tpu.memref_slice %arg8[%dma_wait3A_398, %dma_wait3A_399] : memref<512x128xf32, #tpu.memory_space<vmem_shared>> -> memref<512x128xf32, #tpu.memory_space<vmem_shared>>
    %dma_wait3A_401 = tpu.memref_slice %arg10[%dma_wait3A_390] : memref<8x!tpu.dma_semaphore, #tpu.memory_space<semaphore_mem>> -> memref<1x!tpu.dma_semaphore, #tpu.memory_space<semaphore_mem>>
    %dma_wait3A_402 = tpu.memref_squeeze %dma_wait3A_401 : memref<1x!tpu.dma_semaphore, #tpu.memory_space<semaphore_mem>> -> memref<!tpu.dma_semaphore, #tpu.memory_space<semaphore_mem>>
    tpu.wait_indirect_dma semaphore(%dma_wait3A_402 : memref<!tpu.dma_semaphore, #tpu.memory_space<semaphore_mem>>) src(%dma_wait3A_400 : memref<512x128xf32, #tpu.memory_space<vmem_shared>>) dst(%dma_wait3A_394 : memref<64x128xf32, #tpu.memory_space<vmem>>)
    %add3A_403 = arith.constant 0 : i32
    %add3A_404 = arith.addi %mul3A_2, %add3A_403 : i32
    %dma_start3A_405 = arith.constant 0 : i32
    %dma_start3A_406 = arith.constant 0 : i32
    %dma_start3A_407 = arith.constant 0 : i32
    %dma_start3A_408 = arith.constant 0 : i32
    %dma_start3A_409 = tpu.memref_slice %arg7[%dma_start3A_405, %dma_start3A_407, %dma_start3A_408] : memref<8x64x128xf32, #tpu.memory_space<vmem>> -> memref<1x64x128xf32, #tpu.memory_space<vmem>>
    %dma_start3A_410 = tpu.memref_squeeze %dma_start3A_409 : memref<1x64x128xf32, #tpu.memory_space<vmem>> -> memref<64x128xf32, #tpu.memory_space<vmem>>
    %dma_start3A_411 = arith.constant 0 : i32
    %dma_start3A_412 = tpu.memref_slice %arg5[%add3A_404, %dma_start3A_411] : memref<16384x128xf32, #tpu.memory_space<hbm>> -> memref<64x128xf32, #tpu.memory_space<hbm>>
    %dma_start3A_413 = tpu.memref_slice %arg11[%dma_start3A_406] : memref<8x!tpu.dma_semaphore, #tpu.memory_space<semaphore_mem>> -> memref<1x!tpu.dma_semaphore, #tpu.memory_space<semaphore_mem>>
    %dma_start3A_414 = tpu.memref_squeeze %dma_start3A_413 : memref<1x!tpu.dma_semaphore, #tpu.memory_space<semaphore_mem>> -> memref<!tpu.dma_semaphore, #tpu.memory_space<semaphore_mem>>
    %dma_start3A_415 = arith.constant 0 : i32
    %dma_start3A_416 = tpu.memref_slice %arg5[%add3A_404, %dma_start3A_415] : memref<16384x128xf32, #tpu.memory_space<hbm>> -> memref<64x128xf32, #tpu.memory_space<hbm>>
    %dma_start3A_417 = arith.constant 0 : i32
    %dma_start3A_418 = arith.constant 0 : i32
    %dma_start3A_419 = tpu.memref_slice %arg7[%dma_start3A_405, %dma_start3A_417, %dma_start3A_418] : memref<8x64x128xf32, #tpu.memory_space<vmem>> -> memref<1x64x128xf32, #tpu.memory_space<vmem>>
    %dma_start3A_420 = tpu.memref_squeeze %dma_start3A_419 : memref<1x64x128xf32, #tpu.memory_space<vmem>> -> memref<64x128xf32, #tpu.memory_space<vmem>>
    tpu.enqueue_dma source(%dma_start3A_420 : memref<64x128xf32, #tpu.memory_space<vmem>>) target(%dma_start3A_416 : memref<64x128xf32, #tpu.memory_space<hbm>>) target_semaphore(%dma_start3A_414 : memref<!tpu.dma_semaphore, #tpu.memory_space<semaphore_mem>>)
    %dma_wait3A_421 = arith.constant 1 : i32
    %dma_wait3A_422 = arith.constant 1 : i32
    %dma_wait3A_423 = arith.constant 1 : i32
    %dma_wait3A_424 = arith.constant 1 : i32
    %dma_wait3A_425 = arith.constant 0 : i32
    %dma_wait3A_426 = arith.constant 0 : i32
    %dma_wait3A_427 = tpu.memref_slice %arg7[%dma_wait3A_423, %dma_wait3A_425, %dma_wait3A_426] : memref<8x64x128xf32, #tpu.memory_space<vmem>> -> memref<1x64x128xf32, #tpu.memory_space<vmem>>
    %dma_wait3A_428 = tpu.memref_squeeze %dma_wait3A_427 : memref<1x64x128xf32, #tpu.memory_space<vmem>> -> memref<64x128xf32, #tpu.memory_space<vmem>>
    %dma_wait3A_429 = arith.constant 0 : i32
    %dma_wait3A_430 = tpu.memref_slice %arg6[%dma_wait3A_421, %dma_wait3A_422, %dma_wait3A_429] : memref<2x8x64xi32, #tpu.memory_space<vmem>> -> memref<1x1x64xi32, #tpu.memory_space<vmem>>
    %dma_wait3A_431 = tpu.memref_squeeze %dma_wait3A_430 : memref<1x1x64xi32, #tpu.memory_space<vmem>> -> memref<64xi32, #tpu.memory_space<vmem>>
    %dma_wait3A_432 = arith.constant 0 : i32
    %dma_wait3A_433 = arith.constant 0 : i32
    %dma_wait3A_434 = tpu.memref_slice %arg8[%dma_wait3A_432, %dma_wait3A_433] : memref<512x128xf32, #tpu.memory_space<vmem_shared>> -> memref<512x128xf32, #tpu.memory_space<vmem_shared>>
    %dma_wait3A_435 = tpu.memref_slice %arg10[%dma_wait3A_424] : memref<8x!tpu.dma_semaphore, #tpu.memory_space<semaphore_mem>> -> memref<1x!tpu.dma_semaphore, #tpu.memory_space<semaphore_mem>>
    %dma_wait3A_436 = tpu.memref_squeeze %dma_wait3A_435 : memref<1x!tpu.dma_semaphore, #tpu.memory_space<semaphore_mem>> -> memref<!tpu.dma_semaphore, #tpu.memory_space<semaphore_mem>>
    tpu.wait_indirect_dma semaphore(%dma_wait3A_436 : memref<!tpu.dma_semaphore, #tpu.memory_space<semaphore_mem>>) src(%dma_wait3A_434 : memref<512x128xf32, #tpu.memory_space<vmem_shared>>) dst(%dma_wait3A_428 : memref<64x128xf32, #tpu.memory_space<vmem>>)
    %add3A_437 = arith.constant 64 : i32
    %add3A_438 = arith.addi %mul3A_2, %add3A_437 : i32
    %dma_start3A_439 = arith.constant 1 : i32
    %dma_start3A_440 = arith.constant 1 : i32
    %dma_start3A_441 = arith.constant 0 : i32
    %dma_start3A_442 = arith.constant 0 : i32
    %dma_start3A_443 = tpu.memref_slice %arg7[%dma_start3A_439, %dma_start3A_441, %dma_start3A_442] : memref<8x64x128xf32, #tpu.memory_space<vmem>> -> memref<1x64x128xf32, #tpu.memory_space<vmem>>
    %dma_start3A_444 = tpu.memref_squeeze %dma_start3A_443 : memref<1x64x128xf32, #tpu.memory_space<vmem>> -> memref<64x128xf32, #tpu.memory_space<vmem>>
    %dma_start3A_445 = arith.constant 0 : i32
    %dma_start3A_446 = tpu.memref_slice %arg5[%add3A_438, %dma_start3A_445] : memref<16384x128xf32, #tpu.memory_space<hbm>> -> memref<64x128xf32, #tpu.memory_space<hbm>>
    %dma_start3A_447 = tpu.memref_slice %arg11[%dma_start3A_440] : memref<8x!tpu.dma_semaphore, #tpu.memory_space<semaphore_mem>> -> memref<1x!tpu.dma_semaphore, #tpu.memory_space<semaphore_mem>>
    %dma_start3A_448 = tpu.memref_squeeze %dma_start3A_447 : memref<1x!tpu.dma_semaphore, #tpu.memory_space<semaphore_mem>> -> memref<!tpu.dma_semaphore, #tpu.memory_space<semaphore_mem>>
    %dma_start3A_449 = arith.constant 0 : i32
    %dma_start3A_450 = tpu.memref_slice %arg5[%add3A_438, %dma_start3A_449] : memref<16384x128xf32, #tpu.memory_space<hbm>> -> memref<64x128xf32, #tpu.memory_space<hbm>>
    %dma_start3A_451 = arith.constant 0 : i32
    %dma_start3A_452 = arith.constant 0 : i32
    %dma_start3A_453 = tpu.memref_slice %arg7[%dma_start3A_439, %dma_start3A_451, %dma_start3A_452] : memref<8x64x128xf32, #tpu.memory_space<vmem>> -> memref<1x64x128xf32, #tpu.memory_space<vmem>>
    %dma_start3A_454 = tpu.memref_squeeze %dma_start3A_453 : memref<1x64x128xf32, #tpu.memory_space<vmem>> -> memref<64x128xf32, #tpu.memory_space<vmem>>
    tpu.enqueue_dma source(%dma_start3A_454 : memref<64x128xf32, #tpu.memory_space<vmem>>) target(%dma_start3A_450 : memref<64x128xf32, #tpu.memory_space<hbm>>) target_semaphore(%dma_start3A_448 : memref<!tpu.dma_semaphore, #tpu.memory_space<semaphore_mem>>)
    %dma_wait3A_455 = arith.constant 1 : i32
    %dma_wait3A_456 = arith.constant 2 : i32
    %dma_wait3A_457 = arith.constant 2 : i32
    %dma_wait3A_458 = arith.constant 2 : i32
    %dma_wait3A_459 = arith.constant 0 : i32
    %dma_wait3A_460 = arith.constant 0 : i32
    %dma_wait3A_461 = tpu.memref_slice %arg7[%dma_wait3A_457, %dma_wait3A_459, %dma_wait3A_460] : memref<8x64x128xf32, #tpu.memory_space<vmem>> -> memref<1x64x128xf32, #tpu.memory_space<vmem>>
    %dma_wait3A_462 = tpu.memref_squeeze %dma_wait3A_461 : memref<1x64x128xf32, #tpu.memory_space<vmem>> -> memref<64x128xf32, #tpu.memory_space<vmem>>
    %dma_wait3A_463 = arith.constant 0 : i32
    %dma_wait3A_464 = tpu.memref_slice %arg6[%dma_wait3A_455, %dma_wait3A_456, %dma_wait3A_463] : memref<2x8x64xi32, #tpu.memory_space<vmem>> -> memref<1x1x64xi32, #tpu.memory_space<vmem>>
    %dma_wait3A_465 = tpu.memref_squeeze %dma_wait3A_464 : memref<1x1x64xi32, #tpu.memory_space<vmem>> -> memref<64xi32, #tpu.memory_space<vmem>>
    %dma_wait3A_466 = arith.constant 0 : i32
    %dma_wait3A_467 = arith.constant 0 : i32
    %dma_wait3A_468 = tpu.memref_slice %arg8[%dma_wait3A_466, %dma_wait3A_467] : memref<512x128xf32, #tpu.memory_space<vmem_shared>> -> memref<512x128xf32, #tpu.memory_space<vmem_shared>>
    %dma_wait3A_469 = tpu.memref_slice %arg10[%dma_wait3A_458] : memref<8x!tpu.dma_semaphore, #tpu.memory_space<semaphore_mem>> -> memref<1x!tpu.dma_semaphore, #tpu.memory_space<semaphore_mem>>
    %dma_wait3A_470 = tpu.memref_squeeze %dma_wait3A_469 : memref<1x!tpu.dma_semaphore, #tpu.memory_space<semaphore_mem>> -> memref<!tpu.dma_semaphore, #tpu.memory_space<semaphore_mem>>
    tpu.wait_indirect_dma semaphore(%dma_wait3A_470 : memref<!tpu.dma_semaphore, #tpu.memory_space<semaphore_mem>>) src(%dma_wait3A_468 : memref<512x128xf32, #tpu.memory_space<vmem_shared>>) dst(%dma_wait3A_462 : memref<64x128xf32, #tpu.memory_space<vmem>>)
    %add3A_471 = arith.constant 128 : i32
    %add3A_472 = arith.addi %mul3A_2, %add3A_471 : i32
    %dma_start3A_473 = arith.constant 2 : i32
    %dma_start3A_474 = arith.constant 2 : i32
    %dma_start3A_475 = arith.constant 0 : i32
    %dma_start3A_476 = arith.constant 0 : i32
    %dma_start3A_477 = tpu.memref_slice %arg7[%dma_start3A_473, %dma_start3A_475, %dma_start3A_476] : memref<8x64x128xf32, #tpu.memory_space<vmem>> -> memref<1x64x128xf32, #tpu.memory_space<vmem>>
    %dma_start3A_478 = tpu.memref_squeeze %dma_start3A_477 : memref<1x64x128xf32, #tpu.memory_space<vmem>> -> memref<64x128xf32, #tpu.memory_space<vmem>>
    %dma_start3A_479 = arith.constant 0 : i32
    %dma_start3A_480 = tpu.memref_slice %arg5[%add3A_472, %dma_start3A_479] : memref<16384x128xf32, #tpu.memory_space<hbm>> -> memref<64x128xf32, #tpu.memory_space<hbm>>
    %dma_start3A_481 = tpu.memref_slice %arg11[%dma_start3A_474] : memref<8x!tpu.dma_semaphore, #tpu.memory_space<semaphore_mem>> -> memref<1x!tpu.dma_semaphore, #tpu.memory_space<semaphore_mem>>
    %dma_start3A_482 = tpu.memref_squeeze %dma_start3A_481 : memref<1x!tpu.dma_semaphore, #tpu.memory_space<semaphore_mem>> -> memref<!tpu.dma_semaphore, #tpu.memory_space<semaphore_mem>>
    %dma_start3A_483 = arith.constant 0 : i32
    %dma_start3A_484 = tpu.memref_slice %arg5[%add3A_472, %dma_start3A_483] : memref<16384x128xf32, #tpu.memory_space<hbm>> -> memref<64x128xf32, #tpu.memory_space<hbm>>
    %dma_start3A_485 = arith.constant 0 : i32
    %dma_start3A_486 = arith.constant 0 : i32
    %dma_start3A_487 = tpu.memref_slice %arg7[%dma_start3A_473, %dma_start3A_485, %dma_start3A_486] : memref<8x64x128xf32, #tpu.memory_space<vmem>> -> memref<1x64x128xf32, #tpu.memory_space<vmem>>
    %dma_start3A_488 = tpu.memref_squeeze %dma_start3A_487 : memref<1x64x128xf32, #tpu.memory_space<vmem>> -> memref<64x128xf32, #tpu.memory_space<vmem>>
    tpu.enqueue_dma source(%dma_start3A_488 : memref<64x128xf32, #tpu.memory_space<vmem>>) target(%dma_start3A_484 : memref<64x128xf32, #tpu.memory_space<hbm>>) target_semaphore(%dma_start3A_482 : memref<!tpu.dma_semaphore, #tpu.memory_space<semaphore_mem>>)
    %dma_wait3A_489 = arith.constant 1 : i32
    %dma_wait3A_490 = arith.constant 3 : i32
    %dma_wait3A_491 = arith.constant 3 : i32
    %dma_wait3A_492 = arith.constant 3 : i32
    %dma_wait3A_493 = arith.constant 0 : i32
    %dma_wait3A_494 = arith.constant 0 : i32
    %dma_wait3A_495 = tpu.memref_slice %arg7[%dma_wait3A_491, %dma_wait3A_493, %dma_wait3A_494] : memref<8x64x128xf32, #tpu.memory_space<vmem>> -> memref<1x64x128xf32, #tpu.memory_space<vmem>>
    %dma_wait3A_496 = tpu.memref_squeeze %dma_wait3A_495 : memref<1x64x128xf32, #tpu.memory_space<vmem>> -> memref<64x128xf32, #tpu.memory_space<vmem>>
    %dma_wait3A_497 = arith.constant 0 : i32
    %dma_wait3A_498 = tpu.memref_slice %arg6[%dma_wait3A_489, %dma_wait3A_490, %dma_wait3A_497] : memref<2x8x64xi32, #tpu.memory_space<vmem>> -> memref<1x1x64xi32, #tpu.memory_space<vmem>>
    %dma_wait3A_499 = tpu.memref_squeeze %dma_wait3A_498 : memref<1x1x64xi32, #tpu.memory_space<vmem>> -> memref<64xi32, #tpu.memory_space<vmem>>
    %dma_wait3A_500 = arith.constant 0 : i32
    %dma_wait3A_501 = arith.constant 0 : i32
    %dma_wait3A_502 = tpu.memref_slice %arg8[%dma_wait3A_500, %dma_wait3A_501] : memref<512x128xf32, #tpu.memory_space<vmem_shared>> -> memref<512x128xf32, #tpu.memory_space<vmem_shared>>
    %dma_wait3A_503 = tpu.memref_slice %arg10[%dma_wait3A_492] : memref<8x!tpu.dma_semaphore, #tpu.memory_space<semaphore_mem>> -> memref<1x!tpu.dma_semaphore, #tpu.memory_space<semaphore_mem>>
    %dma_wait3A_504 = tpu.memref_squeeze %dma_wait3A_503 : memref<1x!tpu.dma_semaphore, #tpu.memory_space<semaphore_mem>> -> memref<!tpu.dma_semaphore, #tpu.memory_space<semaphore_mem>>
    tpu.wait_indirect_dma semaphore(%dma_wait3A_504 : memref<!tpu.dma_semaphore, #tpu.memory_space<semaphore_mem>>) src(%dma_wait3A_502 : memref<512x128xf32, #tpu.memory_space<vmem_shared>>) dst(%dma_wait3A_496 : memref<64x128xf32, #tpu.memory_space<vmem>>)
    %add3A_505 = arith.constant 192 : i32
    %add3A_506 = arith.addi %mul3A_2, %add3A_505 : i32
    %dma_start3A_507 = arith.constant 3 : i32
    %dma_start3A_508 = arith.constant 3 : i32
    %dma_start3A_509 = arith.constant 0 : i32
    %dma_start3A_510 = arith.constant 0 : i32
    %dma_start3A_511 = tpu.memref_slice %arg7[%dma_start3A_507, %dma_start3A_509, %dma_start3A_510] : memref<8x64x128xf32, #tpu.memory_space<vmem>> -> memref<1x64x128xf32, #tpu.memory_space<vmem>>
    %dma_start3A_512 = tpu.memref_squeeze %dma_start3A_511 : memref<1x64x128xf32, #tpu.memory_space<vmem>> -> memref<64x128xf32, #tpu.memory_space<vmem>>
    %dma_start3A_513 = arith.constant 0 : i32
    %dma_start3A_514 = tpu.memref_slice %arg5[%add3A_506, %dma_start3A_513] : memref<16384x128xf32, #tpu.memory_space<hbm>> -> memref<64x128xf32, #tpu.memory_space<hbm>>
    %dma_start3A_515 = tpu.memref_slice %arg11[%dma_start3A_508] : memref<8x!tpu.dma_semaphore, #tpu.memory_space<semaphore_mem>> -> memref<1x!tpu.dma_semaphore, #tpu.memory_space<semaphore_mem>>
    %dma_start3A_516 = tpu.memref_squeeze %dma_start3A_515 : memref<1x!tpu.dma_semaphore, #tpu.memory_space<semaphore_mem>> -> memref<!tpu.dma_semaphore, #tpu.memory_space<semaphore_mem>>
    %dma_start3A_517 = arith.constant 0 : i32
    %dma_start3A_518 = tpu.memref_slice %arg5[%add3A_506, %dma_start3A_517] : memref<16384x128xf32, #tpu.memory_space<hbm>> -> memref<64x128xf32, #tpu.memory_space<hbm>>
    %dma_start3A_519 = arith.constant 0 : i32
    %dma_start3A_520 = arith.constant 0 : i32
    %dma_start3A_521 = tpu.memref_slice %arg7[%dma_start3A_507, %dma_start3A_519, %dma_start3A_520] : memref<8x64x128xf32, #tpu.memory_space<vmem>> -> memref<1x64x128xf32, #tpu.memory_space<vmem>>
    %dma_start3A_522 = tpu.memref_squeeze %dma_start3A_521 : memref<1x64x128xf32, #tpu.memory_space<vmem>> -> memref<64x128xf32, #tpu.memory_space<vmem>>
    tpu.enqueue_dma source(%dma_start3A_522 : memref<64x128xf32, #tpu.memory_space<vmem>>) target(%dma_start3A_518 : memref<64x128xf32, #tpu.memory_space<hbm>>) target_semaphore(%dma_start3A_516 : memref<!tpu.dma_semaphore, #tpu.memory_space<semaphore_mem>>)
    %dma_wait3A_523 = arith.constant 1 : i32
    %dma_wait3A_524 = arith.constant 4 : i32
    %dma_wait3A_525 = arith.constant 4 : i32
    %dma_wait3A_526 = arith.constant 4 : i32
    %dma_wait3A_527 = arith.constant 0 : i32
    %dma_wait3A_528 = arith.constant 0 : i32
    %dma_wait3A_529 = tpu.memref_slice %arg7[%dma_wait3A_525, %dma_wait3A_527, %dma_wait3A_528] : memref<8x64x128xf32, #tpu.memory_space<vmem>> -> memref<1x64x128xf32, #tpu.memory_space<vmem>>
    %dma_wait3A_530 = tpu.memref_squeeze %dma_wait3A_529 : memref<1x64x128xf32, #tpu.memory_space<vmem>> -> memref<64x128xf32, #tpu.memory_space<vmem>>
    %dma_wait3A_531 = arith.constant 0 : i32
    %dma_wait3A_532 = tpu.memref_slice %arg6[%dma_wait3A_523, %dma_wait3A_524, %dma_wait3A_531] : memref<2x8x64xi32, #tpu.memory_space<vmem>> -> memref<1x1x64xi32, #tpu.memory_space<vmem>>
    %dma_wait3A_533 = tpu.memref_squeeze %dma_wait3A_532 : memref<1x1x64xi32, #tpu.memory_space<vmem>> -> memref<64xi32, #tpu.memory_space<vmem>>
    %dma_wait3A_534 = arith.constant 0 : i32
    %dma_wait3A_535 = arith.constant 0 : i32
    %dma_wait3A_536 = tpu.memref_slice %arg8[%dma_wait3A_534, %dma_wait3A_535] : memref<512x128xf32, #tpu.memory_space<vmem_shared>> -> memref<512x128xf32, #tpu.memory_space<vmem_shared>>
    %dma_wait3A_537 = tpu.memref_slice %arg10[%dma_wait3A_526] : memref<8x!tpu.dma_semaphore, #tpu.memory_space<semaphore_mem>> -> memref<1x!tpu.dma_semaphore, #tpu.memory_space<semaphore_mem>>
    %dma_wait3A_538 = tpu.memref_squeeze %dma_wait3A_537 : memref<1x!tpu.dma_semaphore, #tpu.memory_space<semaphore_mem>> -> memref<!tpu.dma_semaphore, #tpu.memory_space<semaphore_mem>>
    tpu.wait_indirect_dma semaphore(%dma_wait3A_538 : memref<!tpu.dma_semaphore, #tpu.memory_space<semaphore_mem>>) src(%dma_wait3A_536 : memref<512x128xf32, #tpu.memory_space<vmem_shared>>) dst(%dma_wait3A_530 : memref<64x128xf32, #tpu.memory_space<vmem>>)
    %add3A_539 = arith.constant 256 : i32
    %add3A_540 = arith.addi %mul3A_2, %add3A_539 : i32
    %dma_start3A_541 = arith.constant 4 : i32
    %dma_start3A_542 = arith.constant 4 : i32
    %dma_start3A_543 = arith.constant 0 : i32
    %dma_start3A_544 = arith.constant 0 : i32
    %dma_start3A_545 = tpu.memref_slice %arg7[%dma_start3A_541, %dma_start3A_543, %dma_start3A_544] : memref<8x64x128xf32, #tpu.memory_space<vmem>> -> memref<1x64x128xf32, #tpu.memory_space<vmem>>
    %dma_start3A_546 = tpu.memref_squeeze %dma_start3A_545 : memref<1x64x128xf32, #tpu.memory_space<vmem>> -> memref<64x128xf32, #tpu.memory_space<vmem>>
    %dma_start3A_547 = arith.constant 0 : i32
    %dma_start3A_548 = tpu.memref_slice %arg5[%add3A_540, %dma_start3A_547] : memref<16384x128xf32, #tpu.memory_space<hbm>> -> memref<64x128xf32, #tpu.memory_space<hbm>>
    %dma_start3A_549 = tpu.memref_slice %arg11[%dma_start3A_542] : memref<8x!tpu.dma_semaphore, #tpu.memory_space<semaphore_mem>> -> memref<1x!tpu.dma_semaphore, #tpu.memory_space<semaphore_mem>>
    %dma_start3A_550 = tpu.memref_squeeze %dma_start3A_549 : memref<1x!tpu.dma_semaphore, #tpu.memory_space<semaphore_mem>> -> memref<!tpu.dma_semaphore, #tpu.memory_space<semaphore_mem>>
    %dma_start3A_551 = arith.constant 0 : i32
    %dma_start3A_552 = tpu.memref_slice %arg5[%add3A_540, %dma_start3A_551] : memref<16384x128xf32, #tpu.memory_space<hbm>> -> memref<64x128xf32, #tpu.memory_space<hbm>>
    %dma_start3A_553 = arith.constant 0 : i32
    %dma_start3A_554 = arith.constant 0 : i32
    %dma_start3A_555 = tpu.memref_slice %arg7[%dma_start3A_541, %dma_start3A_553, %dma_start3A_554] : memref<8x64x128xf32, #tpu.memory_space<vmem>> -> memref<1x64x128xf32, #tpu.memory_space<vmem>>
    %dma_start3A_556 = tpu.memref_squeeze %dma_start3A_555 : memref<1x64x128xf32, #tpu.memory_space<vmem>> -> memref<64x128xf32, #tpu.memory_space<vmem>>
    tpu.enqueue_dma source(%dma_start3A_556 : memref<64x128xf32, #tpu.memory_space<vmem>>) target(%dma_start3A_552 : memref<64x128xf32, #tpu.memory_space<hbm>>) target_semaphore(%dma_start3A_550 : memref<!tpu.dma_semaphore, #tpu.memory_space<semaphore_mem>>)
    %dma_wait3A_557 = arith.constant 1 : i32
    %dma_wait3A_558 = arith.constant 5 : i32
    %dma_wait3A_559 = arith.constant 5 : i32
    %dma_wait3A_560 = arith.constant 5 : i32
    %dma_wait3A_561 = arith.constant 0 : i32
    %dma_wait3A_562 = arith.constant 0 : i32
    %dma_wait3A_563 = tpu.memref_slice %arg7[%dma_wait3A_559, %dma_wait3A_561, %dma_wait3A_562] : memref<8x64x128xf32, #tpu.memory_space<vmem>> -> memref<1x64x128xf32, #tpu.memory_space<vmem>>
    %dma_wait3A_564 = tpu.memref_squeeze %dma_wait3A_563 : memref<1x64x128xf32, #tpu.memory_space<vmem>> -> memref<64x128xf32, #tpu.memory_space<vmem>>
    %dma_wait3A_565 = arith.constant 0 : i32
    %dma_wait3A_566 = tpu.memref_slice %arg6[%dma_wait3A_557, %dma_wait3A_558, %dma_wait3A_565] : memref<2x8x64xi32, #tpu.memory_space<vmem>> -> memref<1x1x64xi32, #tpu.memory_space<vmem>>
    %dma_wait3A_567 = tpu.memref_squeeze %dma_wait3A_566 : memref<1x1x64xi32, #tpu.memory_space<vmem>> -> memref<64xi32, #tpu.memory_space<vmem>>
    %dma_wait3A_568 = arith.constant 0 : i32
    %dma_wait3A_569 = arith.constant 0 : i32
    %dma_wait3A_570 = tpu.memref_slice %arg8[%dma_wait3A_568, %dma_wait3A_569] : memref<512x128xf32, #tpu.memory_space<vmem_shared>> -> memref<512x128xf32, #tpu.memory_space<vmem_shared>>
    %dma_wait3A_571 = tpu.memref_slice %arg10[%dma_wait3A_560] : memref<8x!tpu.dma_semaphore, #tpu.memory_space<semaphore_mem>> -> memref<1x!tpu.dma_semaphore, #tpu.memory_space<semaphore_mem>>
    %dma_wait3A_572 = tpu.memref_squeeze %dma_wait3A_571 : memref<1x!tpu.dma_semaphore, #tpu.memory_space<semaphore_mem>> -> memref<!tpu.dma_semaphore, #tpu.memory_space<semaphore_mem>>
    tpu.wait_indirect_dma semaphore(%dma_wait3A_572 : memref<!tpu.dma_semaphore, #tpu.memory_space<semaphore_mem>>) src(%dma_wait3A_570 : memref<512x128xf32, #tpu.memory_space<vmem_shared>>) dst(%dma_wait3A_564 : memref<64x128xf32, #tpu.memory_space<vmem>>)
    %add3A_573 = arith.constant 320 : i32
    %add3A_574 = arith.addi %mul3A_2, %add3A_573 : i32
    %dma_start3A_575 = arith.constant 5 : i32
    %dma_start3A_576 = arith.constant 5 : i32
    %dma_start3A_577 = arith.constant 0 : i32
    %dma_start3A_578 = arith.constant 0 : i32
    %dma_start3A_579 = tpu.memref_slice %arg7[%dma_start3A_575, %dma_start3A_577, %dma_start3A_578] : memref<8x64x128xf32, #tpu.memory_space<vmem>> -> memref<1x64x128xf32, #tpu.memory_space<vmem>>
    %dma_start3A_580 = tpu.memref_squeeze %dma_start3A_579 : memref<1x64x128xf32, #tpu.memory_space<vmem>> -> memref<64x128xf32, #tpu.memory_space<vmem>>
    %dma_start3A_581 = arith.constant 0 : i32
    %dma_start3A_582 = tpu.memref_slice %arg5[%add3A_574, %dma_start3A_581] : memref<16384x128xf32, #tpu.memory_space<hbm>> -> memref<64x128xf32, #tpu.memory_space<hbm>>
    %dma_start3A_583 = tpu.memref_slice %arg11[%dma_start3A_576] : memref<8x!tpu.dma_semaphore, #tpu.memory_space<semaphore_mem>> -> memref<1x!tpu.dma_semaphore, #tpu.memory_space<semaphore_mem>>
    %dma_start3A_584 = tpu.memref_squeeze %dma_start3A_583 : memref<1x!tpu.dma_semaphore, #tpu.memory_space<semaphore_mem>> -> memref<!tpu.dma_semaphore, #tpu.memory_space<semaphore_mem>>
    %dma_start3A_585 = arith.constant 0 : i32
    %dma_start3A_586 = tpu.memref_slice %arg5[%add3A_574, %dma_start3A_585] : memref<16384x128xf32, #tpu.memory_space<hbm>> -> memref<64x128xf32, #tpu.memory_space<hbm>>
    %dma_start3A_587 = arith.constant 0 : i32
    %dma_start3A_588 = arith.constant 0 : i32
    %dma_start3A_589 = tpu.memref_slice %arg7[%dma_start3A_575, %dma_start3A_587, %dma_start3A_588] : memref<8x64x128xf32, #tpu.memory_space<vmem>> -> memref<1x64x128xf32, #tpu.memory_space<vmem>>
    %dma_start3A_590 = tpu.memref_squeeze %dma_start3A_589 : memref<1x64x128xf32, #tpu.memory_space<vmem>> -> memref<64x128xf32, #tpu.memory_space<vmem>>
    tpu.enqueue_dma source(%dma_start3A_590 : memref<64x128xf32, #tpu.memory_space<vmem>>) target(%dma_start3A_586 : memref<64x128xf32, #tpu.memory_space<hbm>>) target_semaphore(%dma_start3A_584 : memref<!tpu.dma_semaphore, #tpu.memory_space<semaphore_mem>>)
    %dma_wait3A_591 = arith.constant 1 : i32
    %dma_wait3A_592 = arith.constant 6 : i32
    %dma_wait3A_593 = arith.constant 6 : i32
    %dma_wait3A_594 = arith.constant 6 : i32
    %dma_wait3A_595 = arith.constant 0 : i32
    %dma_wait3A_596 = arith.constant 0 : i32
    %dma_wait3A_597 = tpu.memref_slice %arg7[%dma_wait3A_593, %dma_wait3A_595, %dma_wait3A_596] : memref<8x64x128xf32, #tpu.memory_space<vmem>> -> memref<1x64x128xf32, #tpu.memory_space<vmem>>
    %dma_wait3A_598 = tpu.memref_squeeze %dma_wait3A_597 : memref<1x64x128xf32, #tpu.memory_space<vmem>> -> memref<64x128xf32, #tpu.memory_space<vmem>>
    %dma_wait3A_599 = arith.constant 0 : i32
    %dma_wait3A_600 = tpu.memref_slice %arg6[%dma_wait3A_591, %dma_wait3A_592, %dma_wait3A_599] : memref<2x8x64xi32, #tpu.memory_space<vmem>> -> memref<1x1x64xi32, #tpu.memory_space<vmem>>
    %dma_wait3A_601 = tpu.memref_squeeze %dma_wait3A_600 : memref<1x1x64xi32, #tpu.memory_space<vmem>> -> memref<64xi32, #tpu.memory_space<vmem>>
    %dma_wait3A_602 = arith.constant 0 : i32
    %dma_wait3A_603 = arith.constant 0 : i32
    %dma_wait3A_604 = tpu.memref_slice %arg8[%dma_wait3A_602, %dma_wait3A_603] : memref<512x128xf32, #tpu.memory_space<vmem_shared>> -> memref<512x128xf32, #tpu.memory_space<vmem_shared>>
    %dma_wait3A_605 = tpu.memref_slice %arg10[%dma_wait3A_594] : memref<8x!tpu.dma_semaphore, #tpu.memory_space<semaphore_mem>> -> memref<1x!tpu.dma_semaphore, #tpu.memory_space<semaphore_mem>>
    %dma_wait3A_606 = tpu.memref_squeeze %dma_wait3A_605 : memref<1x!tpu.dma_semaphore, #tpu.memory_space<semaphore_mem>> -> memref<!tpu.dma_semaphore, #tpu.memory_space<semaphore_mem>>
    tpu.wait_indirect_dma semaphore(%dma_wait3A_606 : memref<!tpu.dma_semaphore, #tpu.memory_space<semaphore_mem>>) src(%dma_wait3A_604 : memref<512x128xf32, #tpu.memory_space<vmem_shared>>) dst(%dma_wait3A_598 : memref<64x128xf32, #tpu.memory_space<vmem>>)
    %add3A_607 = arith.constant 384 : i32
    %add3A_608 = arith.addi %mul3A_2, %add3A_607 : i32
    %dma_start3A_609 = arith.constant 6 : i32
    %dma_start3A_610 = arith.constant 6 : i32
    %dma_start3A_611 = arith.constant 0 : i32
    %dma_start3A_612 = arith.constant 0 : i32
    %dma_start3A_613 = tpu.memref_slice %arg7[%dma_start3A_609, %dma_start3A_611, %dma_start3A_612] : memref<8x64x128xf32, #tpu.memory_space<vmem>> -> memref<1x64x128xf32, #tpu.memory_space<vmem>>
    %dma_start3A_614 = tpu.memref_squeeze %dma_start3A_613 : memref<1x64x128xf32, #tpu.memory_space<vmem>> -> memref<64x128xf32, #tpu.memory_space<vmem>>
    %dma_start3A_615 = arith.constant 0 : i32
    %dma_start3A_616 = tpu.memref_slice %arg5[%add3A_608, %dma_start3A_615] : memref<16384x128xf32, #tpu.memory_space<hbm>> -> memref<64x128xf32, #tpu.memory_space<hbm>>
    %dma_start3A_617 = tpu.memref_slice %arg11[%dma_start3A_610] : memref<8x!tpu.dma_semaphore, #tpu.memory_space<semaphore_mem>> -> memref<1x!tpu.dma_semaphore, #tpu.memory_space<semaphore_mem>>
    %dma_start3A_618 = tpu.memref_squeeze %dma_start3A_617 : memref<1x!tpu.dma_semaphore, #tpu.memory_space<semaphore_mem>> -> memref<!tpu.dma_semaphore, #tpu.memory_space<semaphore_mem>>
    %dma_start3A_619 = arith.constant 0 : i32
    %dma_start3A_620 = tpu.memref_slice %arg5[%add3A_608, %dma_start3A_619] : memref<16384x128xf32, #tpu.memory_space<hbm>> -> memref<64x128xf32, #tpu.memory_space<hbm>>
    %dma_start3A_621 = arith.constant 0 : i32
    %dma_start3A_622 = arith.constant 0 : i32
    %dma_start3A_623 = tpu.memref_slice %arg7[%dma_start3A_609, %dma_start3A_621, %dma_start3A_622] : memref<8x64x128xf32, #tpu.memory_space<vmem>> -> memref<1x64x128xf32, #tpu.memory_space<vmem>>
    %dma_start3A_624 = tpu.memref_squeeze %dma_start3A_623 : memref<1x64x128xf32, #tpu.memory_space<vmem>> -> memref<64x128xf32, #tpu.memory_space<vmem>>
    tpu.enqueue_dma source(%dma_start3A_624 : memref<64x128xf32, #tpu.memory_space<vmem>>) target(%dma_start3A_620 : memref<64x128xf32, #tpu.memory_space<hbm>>) target_semaphore(%dma_start3A_618 : memref<!tpu.dma_semaphore, #tpu.memory_space<semaphore_mem>>)
    %dma_wait3A_625 = arith.constant 1 : i32
    %dma_wait3A_626 = arith.constant 7 : i32
    %dma_wait3A_627 = arith.constant 7 : i32
    %dma_wait3A_628 = arith.constant 7 : i32
    %dma_wait3A_629 = arith.constant 0 : i32
    %dma_wait3A_630 = arith.constant 0 : i32
    %dma_wait3A_631 = tpu.memref_slice %arg7[%dma_wait3A_627, %dma_wait3A_629, %dma_wait3A_630] : memref<8x64x128xf32, #tpu.memory_space<vmem>> -> memref<1x64x128xf32, #tpu.memory_space<vmem>>
    %dma_wait3A_632 = tpu.memref_squeeze %dma_wait3A_631 : memref<1x64x128xf32, #tpu.memory_space<vmem>> -> memref<64x128xf32, #tpu.memory_space<vmem>>
    %dma_wait3A_633 = arith.constant 0 : i32
    %dma_wait3A_634 = tpu.memref_slice %arg6[%dma_wait3A_625, %dma_wait3A_626, %dma_wait3A_633] : memref<2x8x64xi32, #tpu.memory_space<vmem>> -> memref<1x1x64xi32, #tpu.memory_space<vmem>>
    %dma_wait3A_635 = tpu.memref_squeeze %dma_wait3A_634 : memref<1x1x64xi32, #tpu.memory_space<vmem>> -> memref<64xi32, #tpu.memory_space<vmem>>
    %dma_wait3A_636 = arith.constant 0 : i32
    %dma_wait3A_637 = arith.constant 0 : i32
    %dma_wait3A_638 = tpu.memref_slice %arg8[%dma_wait3A_636, %dma_wait3A_637] : memref<512x128xf32, #tpu.memory_space<vmem_shared>> -> memref<512x128xf32, #tpu.memory_space<vmem_shared>>
    %dma_wait3A_639 = tpu.memref_slice %arg10[%dma_wait3A_628] : memref<8x!tpu.dma_semaphore, #tpu.memory_space<semaphore_mem>> -> memref<1x!tpu.dma_semaphore, #tpu.memory_space<semaphore_mem>>
    %dma_wait3A_640 = tpu.memref_squeeze %dma_wait3A_639 : memref<1x!tpu.dma_semaphore, #tpu.memory_space<semaphore_mem>> -> memref<!tpu.dma_semaphore, #tpu.memory_space<semaphore_mem>>
    tpu.wait_indirect_dma semaphore(%dma_wait3A_640 : memref<!tpu.dma_semaphore, #tpu.memory_space<semaphore_mem>>) src(%dma_wait3A_638 : memref<512x128xf32, #tpu.memory_space<vmem_shared>>) dst(%dma_wait3A_632 : memref<64x128xf32, #tpu.memory_space<vmem>>)
    %add3A_641 = arith.constant 448 : i32
    %add3A_642 = arith.addi %mul3A_2, %add3A_641 : i32
    %dma_start3A_643 = arith.constant 7 : i32
    %dma_start3A_644 = arith.constant 7 : i32
    %dma_start3A_645 = arith.constant 0 : i32
    %dma_start3A_646 = arith.constant 0 : i32
    %dma_start3A_647 = tpu.memref_slice %arg7[%dma_start3A_643, %dma_start3A_645, %dma_start3A_646] : memref<8x64x128xf32, #tpu.memory_space<vmem>> -> memref<1x64x128xf32, #tpu.memory_space<vmem>>
    %dma_start3A_648 = tpu.memref_squeeze %dma_start3A_647 : memref<1x64x128xf32, #tpu.memory_space<vmem>> -> memref<64x128xf32, #tpu.memory_space<vmem>>
    %dma_start3A_649 = arith.constant 0 : i32
    %dma_start3A_650 = tpu.memref_slice %arg5[%add3A_642, %dma_start3A_649] : memref<16384x128xf32, #tpu.memory_space<hbm>> -> memref<64x128xf32, #tpu.memory_space<hbm>>
    %dma_start3A_651 = tpu.memref_slice %arg11[%dma_start3A_644] : memref<8x!tpu.dma_semaphore, #tpu.memory_space<semaphore_mem>> -> memref<1x!tpu.dma_semaphore, #tpu.memory_space<semaphore_mem>>
    %dma_start3A_652 = tpu.memref_squeeze %dma_start3A_651 : memref<1x!tpu.dma_semaphore, #tpu.memory_space<semaphore_mem>> -> memref<!tpu.dma_semaphore, #tpu.memory_space<semaphore_mem>>
    %dma_start3A_653 = arith.constant 0 : i32
    %dma_start3A_654 = tpu.memref_slice %arg5[%add3A_642, %dma_start3A_653] : memref<16384x128xf32, #tpu.memory_space<hbm>> -> memref<64x128xf32, #tpu.memory_space<hbm>>
    %dma_start3A_655 = arith.constant 0 : i32
    %dma_start3A_656 = arith.constant 0 : i32
    %dma_start3A_657 = tpu.memref_slice %arg7[%dma_start3A_643, %dma_start3A_655, %dma_start3A_656] : memref<8x64x128xf32, #tpu.memory_space<vmem>> -> memref<1x64x128xf32, #tpu.memory_space<vmem>>
    %dma_start3A_658 = tpu.memref_squeeze %dma_start3A_657 : memref<1x64x128xf32, #tpu.memory_space<vmem>> -> memref<64x128xf32, #tpu.memory_space<vmem>>
    tpu.enqueue_dma source(%dma_start3A_658 : memref<64x128xf32, #tpu.memory_space<vmem>>) target(%dma_start3A_654 : memref<64x128xf32, #tpu.memory_space<hbm>>) target_semaphore(%dma_start3A_652 : memref<!tpu.dma_semaphore, #tpu.memory_space<semaphore_mem>>)
    %dma_wait3A_659 = arith.constant 0 : i32
    %dma_wait3A_660 = arith.constant 0 : i32
    %dma_wait3A_661 = arith.constant 0 : i32
    %dma_wait3A_662 = arith.constant 0 : i32
    %dma_wait3A_663 = tpu.memref_slice %arg7[%dma_wait3A_659, %dma_wait3A_661, %dma_wait3A_662] : memref<8x64x128xf32, #tpu.memory_space<vmem>> -> memref<1x64x128xf32, #tpu.memory_space<vmem>>
    %dma_wait3A_664 = tpu.memref_squeeze %dma_wait3A_663 : memref<1x64x128xf32, #tpu.memory_space<vmem>> -> memref<64x128xf32, #tpu.memory_space<vmem>>
    %dma_wait3A_665 = arith.constant 0 : i32
    %dma_wait3A_666 = tpu.memref_slice %arg5[%add3A_404, %dma_wait3A_665] : memref<16384x128xf32, #tpu.memory_space<hbm>> -> memref<64x128xf32, #tpu.memory_space<hbm>>
    %dma_wait3A_667 = tpu.memref_slice %arg11[%dma_wait3A_660] : memref<8x!tpu.dma_semaphore, #tpu.memory_space<semaphore_mem>> -> memref<1x!tpu.dma_semaphore, #tpu.memory_space<semaphore_mem>>
    %dma_wait3A_668 = tpu.memref_squeeze %dma_wait3A_667 : memref<1x!tpu.dma_semaphore, #tpu.memory_space<semaphore_mem>> -> memref<!tpu.dma_semaphore, #tpu.memory_space<semaphore_mem>>
    %dma_wait3A_669 = arith.constant 0 : i32
    %dma_wait3A_670 = tpu.memref_slice %arg5[%add3A_404, %dma_wait3A_669] : memref<16384x128xf32, #tpu.memory_space<hbm>> -> memref<64x128xf32, #tpu.memory_space<hbm>>
    %dma_wait3A_671 = arith.constant 0 : i32
    %dma_wait3A_672 = arith.constant 0 : i32
    %dma_wait3A_673 = tpu.memref_slice %arg7[%dma_wait3A_659, %dma_wait3A_671, %dma_wait3A_672] : memref<8x64x128xf32, #tpu.memory_space<vmem>> -> memref<1x64x128xf32, #tpu.memory_space<vmem>>
    %dma_wait3A_674 = tpu.memref_squeeze %dma_wait3A_673 : memref<1x64x128xf32, #tpu.memory_space<vmem>> -> memref<64x128xf32, #tpu.memory_space<vmem>>
    tpu.wait_dma2 semaphore(%dma_wait3A_668 : memref<!tpu.dma_semaphore, #tpu.memory_space<semaphore_mem>>) src(%dma_wait3A_674 : memref<64x128xf32, #tpu.memory_space<vmem>>) dst(%dma_wait3A_670 : memref<64x128xf32, #tpu.memory_space<hbm>>)
    %dma_wait3A_675 = arith.constant 1 : i32
    %dma_wait3A_676 = arith.constant 1 : i32
    %dma_wait3A_677 = arith.constant 0 : i32
    %dma_wait3A_678 = arith.constant 0 : i32
    %dma_wait3A_679 = tpu.memref_slice %arg7[%dma_wait3A_675, %dma_wait3A_677, %dma_wait3A_678] : memref<8x64x128xf32, #tpu.memory_space<vmem>> -> memref<1x64x128xf32, #tpu.memory_space<vmem>>
    %dma_wait3A_680 = tpu.memref_squeeze %dma_wait3A_679 : memref<1x64x128xf32, #tpu.memory_space<vmem>> -> memref<64x128xf32, #tpu.memory_space<vmem>>
    %dma_wait3A_681 = arith.constant 0 : i32
    %dma_wait3A_682 = tpu.memref_slice %arg5[%add3A_438, %dma_wait3A_681] : memref<16384x128xf32, #tpu.memory_space<hbm>> -> memref<64x128xf32, #tpu.memory_space<hbm>>
    %dma_wait3A_683 = tpu.memref_slice %arg11[%dma_wait3A_676] : memref<8x!tpu.dma_semaphore, #tpu.memory_space<semaphore_mem>> -> memref<1x!tpu.dma_semaphore, #tpu.memory_space<semaphore_mem>>
    %dma_wait3A_684 = tpu.memref_squeeze %dma_wait3A_683 : memref<1x!tpu.dma_semaphore, #tpu.memory_space<semaphore_mem>> -> memref<!tpu.dma_semaphore, #tpu.memory_space<semaphore_mem>>
    %dma_wait3A_685 = arith.constant 0 : i32
    %dma_wait3A_686 = tpu.memref_slice %arg5[%add3A_438, %dma_wait3A_685] : memref<16384x128xf32, #tpu.memory_space<hbm>> -> memref<64x128xf32, #tpu.memory_space<hbm>>
    %dma_wait3A_687 = arith.constant 0 : i32
    %dma_wait3A_688 = arith.constant 0 : i32
    %dma_wait3A_689 = tpu.memref_slice %arg7[%dma_wait3A_675, %dma_wait3A_687, %dma_wait3A_688] : memref<8x64x128xf32, #tpu.memory_space<vmem>> -> memref<1x64x128xf32, #tpu.memory_space<vmem>>
    %dma_wait3A_690 = tpu.memref_squeeze %dma_wait3A_689 : memref<1x64x128xf32, #tpu.memory_space<vmem>> -> memref<64x128xf32, #tpu.memory_space<vmem>>
    tpu.wait_dma2 semaphore(%dma_wait3A_684 : memref<!tpu.dma_semaphore, #tpu.memory_space<semaphore_mem>>) src(%dma_wait3A_690 : memref<64x128xf32, #tpu.memory_space<vmem>>) dst(%dma_wait3A_686 : memref<64x128xf32, #tpu.memory_space<hbm>>)
    %dma_wait3A_691 = arith.constant 2 : i32
    %dma_wait3A_692 = arith.constant 2 : i32
    %dma_wait3A_693 = arith.constant 0 : i32
    %dma_wait3A_694 = arith.constant 0 : i32
    %dma_wait3A_695 = tpu.memref_slice %arg7[%dma_wait3A_691, %dma_wait3A_693, %dma_wait3A_694] : memref<8x64x128xf32, #tpu.memory_space<vmem>> -> memref<1x64x128xf32, #tpu.memory_space<vmem>>
    %dma_wait3A_696 = tpu.memref_squeeze %dma_wait3A_695 : memref<1x64x128xf32, #tpu.memory_space<vmem>> -> memref<64x128xf32, #tpu.memory_space<vmem>>
    %dma_wait3A_697 = arith.constant 0 : i32
    %dma_wait3A_698 = tpu.memref_slice %arg5[%add3A_472, %dma_wait3A_697] : memref<16384x128xf32, #tpu.memory_space<hbm>> -> memref<64x128xf32, #tpu.memory_space<hbm>>
    %dma_wait3A_699 = tpu.memref_slice %arg11[%dma_wait3A_692] : memref<8x!tpu.dma_semaphore, #tpu.memory_space<semaphore_mem>> -> memref<1x!tpu.dma_semaphore, #tpu.memory_space<semaphore_mem>>
    %dma_wait3A_700 = tpu.memref_squeeze %dma_wait3A_699 : memref<1x!tpu.dma_semaphore, #tpu.memory_space<semaphore_mem>> -> memref<!tpu.dma_semaphore, #tpu.memory_space<semaphore_mem>>
    %dma_wait3A_701 = arith.constant 0 : i32
    %dma_wait3A_702 = tpu.memref_slice %arg5[%add3A_472, %dma_wait3A_701] : memref<16384x128xf32, #tpu.memory_space<hbm>> -> memref<64x128xf32, #tpu.memory_space<hbm>>
    %dma_wait3A_703 = arith.constant 0 : i32
    %dma_wait3A_704 = arith.constant 0 : i32
    %dma_wait3A_705 = tpu.memref_slice %arg7[%dma_wait3A_691, %dma_wait3A_703, %dma_wait3A_704] : memref<8x64x128xf32, #tpu.memory_space<vmem>> -> memref<1x64x128xf32, #tpu.memory_space<vmem>>
    %dma_wait3A_706 = tpu.memref_squeeze %dma_wait3A_705 : memref<1x64x128xf32, #tpu.memory_space<vmem>> -> memref<64x128xf32, #tpu.memory_space<vmem>>
    tpu.wait_dma2 semaphore(%dma_wait3A_700 : memref<!tpu.dma_semaphore, #tpu.memory_space<semaphore_mem>>) src(%dma_wait3A_706 : memref<64x128xf32, #tpu.memory_space<vmem>>) dst(%dma_wait3A_702 : memref<64x128xf32, #tpu.memory_space<hbm>>)
    %dma_wait3A_707 = arith.constant 3 : i32
    %dma_wait3A_708 = arith.constant 3 : i32
    %dma_wait3A_709 = arith.constant 0 : i32
    %dma_wait3A_710 = arith.constant 0 : i32
    %dma_wait3A_711 = tpu.memref_slice %arg7[%dma_wait3A_707, %dma_wait3A_709, %dma_wait3A_710] : memref<8x64x128xf32, #tpu.memory_space<vmem>> -> memref<1x64x128xf32, #tpu.memory_space<vmem>>
    %dma_wait3A_712 = tpu.memref_squeeze %dma_wait3A_711 : memref<1x64x128xf32, #tpu.memory_space<vmem>> -> memref<64x128xf32, #tpu.memory_space<vmem>>
    %dma_wait3A_713 = arith.constant 0 : i32
    %dma_wait3A_714 = tpu.memref_slice %arg5[%add3A_506, %dma_wait3A_713] : memref<16384x128xf32, #tpu.memory_space<hbm>> -> memref<64x128xf32, #tpu.memory_space<hbm>>
    %dma_wait3A_715 = tpu.memref_slice %arg11[%dma_wait3A_708] : memref<8x!tpu.dma_semaphore, #tpu.memory_space<semaphore_mem>> -> memref<1x!tpu.dma_semaphore, #tpu.memory_space<semaphore_mem>>
    %dma_wait3A_716 = tpu.memref_squeeze %dma_wait3A_715 : memref<1x!tpu.dma_semaphore, #tpu.memory_space<semaphore_mem>> -> memref<!tpu.dma_semaphore, #tpu.memory_space<semaphore_mem>>
    %dma_wait3A_717 = arith.constant 0 : i32
    %dma_wait3A_718 = tpu.memref_slice %arg5[%add3A_506, %dma_wait3A_717] : memref<16384x128xf32, #tpu.memory_space<hbm>> -> memref<64x128xf32, #tpu.memory_space<hbm>>
    %dma_wait3A_719 = arith.constant 0 : i32
    %dma_wait3A_720 = arith.constant 0 : i32
    %dma_wait3A_721 = tpu.memref_slice %arg7[%dma_wait3A_707, %dma_wait3A_719, %dma_wait3A_720] : memref<8x64x128xf32, #tpu.memory_space<vmem>> -> memref<1x64x128xf32, #tpu.memory_space<vmem>>
    %dma_wait3A_722 = tpu.memref_squeeze %dma_wait3A_721 : memref<1x64x128xf32, #tpu.memory_space<vmem>> -> memref<64x128xf32, #tpu.memory_space<vmem>>
    tpu.wait_dma2 semaphore(%dma_wait3A_716 : memref<!tpu.dma_semaphore, #tpu.memory_space<semaphore_mem>>) src(%dma_wait3A_722 : memref<64x128xf32, #tpu.memory_space<vmem>>) dst(%dma_wait3A_718 : memref<64x128xf32, #tpu.memory_space<hbm>>)
    %dma_wait3A_723 = arith.constant 4 : i32
    %dma_wait3A_724 = arith.constant 4 : i32
    %dma_wait3A_725 = arith.constant 0 : i32
    %dma_wait3A_726 = arith.constant 0 : i32
    %dma_wait3A_727 = tpu.memref_slice %arg7[%dma_wait3A_723, %dma_wait3A_725, %dma_wait3A_726] : memref<8x64x128xf32, #tpu.memory_space<vmem>> -> memref<1x64x128xf32, #tpu.memory_space<vmem>>
    %dma_wait3A_728 = tpu.memref_squeeze %dma_wait3A_727 : memref<1x64x128xf32, #tpu.memory_space<vmem>> -> memref<64x128xf32, #tpu.memory_space<vmem>>
    %dma_wait3A_729 = arith.constant 0 : i32
    %dma_wait3A_730 = tpu.memref_slice %arg5[%add3A_540, %dma_wait3A_729] : memref<16384x128xf32, #tpu.memory_space<hbm>> -> memref<64x128xf32, #tpu.memory_space<hbm>>
    %dma_wait3A_731 = tpu.memref_slice %arg11[%dma_wait3A_724] : memref<8x!tpu.dma_semaphore, #tpu.memory_space<semaphore_mem>> -> memref<1x!tpu.dma_semaphore, #tpu.memory_space<semaphore_mem>>
    %dma_wait3A_732 = tpu.memref_squeeze %dma_wait3A_731 : memref<1x!tpu.dma_semaphore, #tpu.memory_space<semaphore_mem>> -> memref<!tpu.dma_semaphore, #tpu.memory_space<semaphore_mem>>
    %dma_wait3A_733 = arith.constant 0 : i32
    %dma_wait3A_734 = tpu.memref_slice %arg5[%add3A_540, %dma_wait3A_733] : memref<16384x128xf32, #tpu.memory_space<hbm>> -> memref<64x128xf32, #tpu.memory_space<hbm>>
    %dma_wait3A_735 = arith.constant 0 : i32
    %dma_wait3A_736 = arith.constant 0 : i32
    %dma_wait3A_737 = tpu.memref_slice %arg7[%dma_wait3A_723, %dma_wait3A_735, %dma_wait3A_736] : memref<8x64x128xf32, #tpu.memory_space<vmem>> -> memref<1x64x128xf32, #tpu.memory_space<vmem>>
    %dma_wait3A_738 = tpu.memref_squeeze %dma_wait3A_737 : memref<1x64x128xf32, #tpu.memory_space<vmem>> -> memref<64x128xf32, #tpu.memory_space<vmem>>
    tpu.wait_dma2 semaphore(%dma_wait3A_732 : memref<!tpu.dma_semaphore, #tpu.memory_space<semaphore_mem>>) src(%dma_wait3A_738 : memref<64x128xf32, #tpu.memory_space<vmem>>) dst(%dma_wait3A_734 : memref<64x128xf32, #tpu.memory_space<hbm>>)
    %dma_wait3A_739 = arith.constant 5 : i32
    %dma_wait3A_740 = arith.constant 5 : i32
    %dma_wait3A_741 = arith.constant 0 : i32
    %dma_wait3A_742 = arith.constant 0 : i32
    %dma_wait3A_743 = tpu.memref_slice %arg7[%dma_wait3A_739, %dma_wait3A_741, %dma_wait3A_742] : memref<8x64x128xf32, #tpu.memory_space<vmem>> -> memref<1x64x128xf32, #tpu.memory_space<vmem>>
    %dma_wait3A_744 = tpu.memref_squeeze %dma_wait3A_743 : memref<1x64x128xf32, #tpu.memory_space<vmem>> -> memref<64x128xf32, #tpu.memory_space<vmem>>
    %dma_wait3A_745 = arith.constant 0 : i32
    %dma_wait3A_746 = tpu.memref_slice %arg5[%add3A_574, %dma_wait3A_745] : memref<16384x128xf32, #tpu.memory_space<hbm>> -> memref<64x128xf32, #tpu.memory_space<hbm>>
    %dma_wait3A_747 = tpu.memref_slice %arg11[%dma_wait3A_740] : memref<8x!tpu.dma_semaphore, #tpu.memory_space<semaphore_mem>> -> memref<1x!tpu.dma_semaphore, #tpu.memory_space<semaphore_mem>>
    %dma_wait3A_748 = tpu.memref_squeeze %dma_wait3A_747 : memref<1x!tpu.dma_semaphore, #tpu.memory_space<semaphore_mem>> -> memref<!tpu.dma_semaphore, #tpu.memory_space<semaphore_mem>>
    %dma_wait3A_749 = arith.constant 0 : i32
    %dma_wait3A_750 = tpu.memref_slice %arg5[%add3A_574, %dma_wait3A_749] : memref<16384x128xf32, #tpu.memory_space<hbm>> -> memref<64x128xf32, #tpu.memory_space<hbm>>
    %dma_wait3A_751 = arith.constant 0 : i32
    %dma_wait3A_752 = arith.constant 0 : i32
    %dma_wait3A_753 = tpu.memref_slice %arg7[%dma_wait3A_739, %dma_wait3A_751, %dma_wait3A_752] : memref<8x64x128xf32, #tpu.memory_space<vmem>> -> memref<1x64x128xf32, #tpu.memory_space<vmem>>
    %dma_wait3A_754 = tpu.memref_squeeze %dma_wait3A_753 : memref<1x64x128xf32, #tpu.memory_space<vmem>> -> memref<64x128xf32, #tpu.memory_space<vmem>>
    tpu.wait_dma2 semaphore(%dma_wait3A_748 : memref<!tpu.dma_semaphore, #tpu.memory_space<semaphore_mem>>) src(%dma_wait3A_754 : memref<64x128xf32, #tpu.memory_space<vmem>>) dst(%dma_wait3A_750 : memref<64x128xf32, #tpu.memory_space<hbm>>)
    %dma_wait3A_755 = arith.constant 6 : i32
    %dma_wait3A_756 = arith.constant 6 : i32
    %dma_wait3A_757 = arith.constant 0 : i32
    %dma_wait3A_758 = arith.constant 0 : i32
    %dma_wait3A_759 = tpu.memref_slice %arg7[%dma_wait3A_755, %dma_wait3A_757, %dma_wait3A_758] : memref<8x64x128xf32, #tpu.memory_space<vmem>> -> memref<1x64x128xf32, #tpu.memory_space<vmem>>
    %dma_wait3A_760 = tpu.memref_squeeze %dma_wait3A_759 : memref<1x64x128xf32, #tpu.memory_space<vmem>> -> memref<64x128xf32, #tpu.memory_space<vmem>>
    %dma_wait3A_761 = arith.constant 0 : i32
    %dma_wait3A_762 = tpu.memref_slice %arg5[%add3A_608, %dma_wait3A_761] : memref<16384x128xf32, #tpu.memory_space<hbm>> -> memref<64x128xf32, #tpu.memory_space<hbm>>
    %dma_wait3A_763 = tpu.memref_slice %arg11[%dma_wait3A_756] : memref<8x!tpu.dma_semaphore, #tpu.memory_space<semaphore_mem>> -> memref<1x!tpu.dma_semaphore, #tpu.memory_space<semaphore_mem>>
    %dma_wait3A_764 = tpu.memref_squeeze %dma_wait3A_763 : memref<1x!tpu.dma_semaphore, #tpu.memory_space<semaphore_mem>> -> memref<!tpu.dma_semaphore, #tpu.memory_space<semaphore_mem>>
    %dma_wait3A_765 = arith.constant 0 : i32
    %dma_wait3A_766 = tpu.memref_slice %arg5[%add3A_608, %dma_wait3A_765] : memref<16384x128xf32, #tpu.memory_space<hbm>> -> memref<64x128xf32, #tpu.memory_space<hbm>>
    %dma_wait3A_767 = arith.constant 0 : i32
    %dma_wait3A_768 = arith.constant 0 : i32
    %dma_wait3A_769 = tpu.memref_slice %arg7[%dma_wait3A_755, %dma_wait3A_767, %dma_wait3A_768] : memref<8x64x128xf32, #tpu.memory_space<vmem>> -> memref<1x64x128xf32, #tpu.memory_space<vmem>>
    %dma_wait3A_770 = tpu.memref_squeeze %dma_wait3A_769 : memref<1x64x128xf32, #tpu.memory_space<vmem>> -> memref<64x128xf32, #tpu.memory_space<vmem>>
    tpu.wait_dma2 semaphore(%dma_wait3A_764 : memref<!tpu.dma_semaphore, #tpu.memory_space<semaphore_mem>>) src(%dma_wait3A_770 : memref<64x128xf32, #tpu.memory_space<vmem>>) dst(%dma_wait3A_766 : memref<64x128xf32, #tpu.memory_space<hbm>>)
    %dma_wait3A_771 = arith.constant 7 : i32
    %dma_wait3A_772 = arith.constant 7 : i32
    %dma_wait3A_773 = arith.constant 0 : i32
    %dma_wait3A_774 = arith.constant 0 : i32
    %dma_wait3A_775 = tpu.memref_slice %arg7[%dma_wait3A_771, %dma_wait3A_773, %dma_wait3A_774] : memref<8x64x128xf32, #tpu.memory_space<vmem>> -> memref<1x64x128xf32, #tpu.memory_space<vmem>>
    %dma_wait3A_776 = tpu.memref_squeeze %dma_wait3A_775 : memref<1x64x128xf32, #tpu.memory_space<vmem>> -> memref<64x128xf32, #tpu.memory_space<vmem>>
    %dma_wait3A_777 = arith.constant 0 : i32
    %dma_wait3A_778 = tpu.memref_slice %arg5[%add3A_642, %dma_wait3A_777] : memref<16384x128xf32, #tpu.memory_space<hbm>> -> memref<64x128xf32, #tpu.memory_space<hbm>>
    %dma_wait3A_779 = tpu.memref_slice %arg11[%dma_wait3A_772] : memref<8x!tpu.dma_semaphore, #tpu.memory_space<semaphore_mem>> -> memref<1x!tpu.dma_semaphore, #tpu.memory_space<semaphore_mem>>
    %dma_wait3A_780 = tpu.memref_squeeze %dma_wait3A_779 : memref<1x!tpu.dma_semaphore, #tpu.memory_space<semaphore_mem>> -> memref<!tpu.dma_semaphore, #tpu.memory_space<semaphore_mem>>
    %dma_wait3A_781 = arith.constant 0 : i32
    %dma_wait3A_782 = tpu.memref_slice %arg5[%add3A_642, %dma_wait3A_781] : memref<16384x128xf32, #tpu.memory_space<hbm>> -> memref<64x128xf32, #tpu.memory_space<hbm>>
    %dma_wait3A_783 = arith.constant 0 : i32
    %dma_wait3A_784 = arith.constant 0 : i32
    %dma_wait3A_785 = tpu.memref_slice %arg7[%dma_wait3A_771, %dma_wait3A_783, %dma_wait3A_784] : memref<8x64x128xf32, #tpu.memory_space<vmem>> -> memref<1x64x128xf32, #tpu.memory_space<vmem>>
    %dma_wait3A_786 = tpu.memref_squeeze %dma_wait3A_785 : memref<1x64x128xf32, #tpu.memory_space<vmem>> -> memref<64x128xf32, #tpu.memory_space<vmem>>
    tpu.wait_dma2 semaphore(%dma_wait3A_780 : memref<!tpu.dma_semaphore, #tpu.memory_space<semaphore_mem>>) src(%dma_wait3A_786 : memref<64x128xf32, #tpu.memory_space<vmem>>) dst(%dma_wait3A_782 : memref<64x128xf32, #tpu.memory_space<hbm>>)
    return
  }
}

</mosaic_0001>

<sc_bundles>
// kernel: _embeddings.3.cloned.1.call-start
scs
__scs_entry_jumppad:
0x0: {  	(pc) =	sbr.rel $0x88, $3  }
0x1: {  	(tag) =	ssettag $0x0;
	lr =	simm.s32 $0x1  }
0x2: {  	[smem:$0x3F9E] =	sst lr;
	_ =	strace $0xD0000000  }
0x3: {  	_ = 	snop  }
0x4: {  	_ = 	snop  }
0x5: {  	_ = 	snop  }
0x6: {  	_ = 	snop  }
0x7: {  	_ = 	snop  }
__scs_overlays_trampoline_lowered:
0x8: {  	[smem:$0x3FAD] =	sst s0  }
0x9: {  	[smem:$0x3FAE] =	sst s1  }
0xa: {  	[smem:$0x3FAF] =	sst s2  }
0xb: {  	[smem:$0x3FB0] =	sst s3  }
0xc: {  	[smem:$0x3FB1] =	sst s4  }
0xd: {  	[smem:$0x3FB2] =	sst s5  }
0xe: {  	[smem:$0x3FB3] =	sst s6  }
0xf: {  	[smem:$0x3FB4] =	sst s7  }
0x10: {  	[smem:$0x3FB5] =	sst s8  }
0x11: {  	[smem:$0x3FB6] =	sst s9;
	s0 =	simm.s32 @!p0 $0x0  }
0x12: {  	s1 =	sld [smem:$0x3F9C];
	s0 =	simm.s32 @p0 $0x1  }
0x13: {  	[smem:$0x3FB7] =	sst s0;
	s0 =	simm.s32 @!p1 $0x0  }
0x14: {  	s2 =	sld [smem:$0x3F9B];
	s0 =	simm.s32 @p1 $0x1  }
0x15: {  	[smem:$0x3FB8] =	sst s0;
	s0 =	simm.s32 @!p2 $0x0  }
0x16: {  	s3 =	sld [smem:$0x3FDB];
	s0 =	simm.s32 @p2 $0x1  }
0x17: {  	s4 =	simm.s32 $0x1BF5;
	[smem:$0x3FBA] =	sst s0  }
0x18: {  	s0 =	sld [smem:$0x3F9D];
	_ =	swait.ge [sflag:s4], $0x0  }
0x19: {  	s7 =	sld [smem:$0x3F9E]  }
0x1a: {  	s8 =	sadd.s32 $0xFFFFE003, lr  }
0x1b: {  	s9 =	sadd.s32 $0xFFFFFEF7, lr;
	s5 =	simm.s32 $0xFFFFFFFF;
	p2 =	slt.u32 s8, $0xFFFFF086  }
0x1c: {  	p1 =	slt.u32 s9, $0xF7A;
	s5 =	simm.s32 @!p2 $0x0  }
0x1d: {  	s5 =	simm.s32 @p1 $0x1;
	p0 =	seq.s32 s7, s2  }
0x1e: {  	s7 =	smul.u32 @!p0 $0xF7A, s2;
	p2 =	seq.s32 @!p0 s5, $0x0  }
0x1f: {  	s9 =	smul.u32 $0xF7A, s1;
	s8 =	simm.s32 @!p0 $0x1BF5;
	p2 =	por !p2, p0  }
0x20: {  	[sflag:s8] =	ssyncset.s32 @!p0 $0xFFFFF086;
	s6 =	sadd.s32 @!p0 s3, s7;
	s7 =	simm.s32 @!p0 $0x108  }
0x21: {  	s3 =	sadd.s32 s3, s9;
	s6 =	sadd.s32 @!p0 $0x88, s6;
	s7 =	simm.s32 @p2 $0x1082  }
0x22: {  	[simem:s7], [sflag:s8] =	dma.local @!p0 [hbm:s6], $0xF7A  }
0x23: {  	s9 =	sor.u32 $0xD0000000, s2;
	s6 =	simm.s32 $0x108;
	_ =	swait.ge @!p0 [sflag:s8], $0x0  }
0x24: {  	s3 =	sadd.s32 $0x88, s3;
	s6 =	simm.s32 @!p1 $0x1082;
	[sflag:s4] =	ssyncset.s32 $0xFFFFF086  }
0x25: {  	[simem:s6], [sflag:s4] =	dma.local [hbm:s3], $0xF7A  }
0x26: {  	[smem:$0x3F9E] =	sst s1;
	(tag) =	ssettag s2;
	_ =	strace s9  }
0x27: {  	s1 =	sld [smem:$0x3FAE]  }
0x28: {  	s2 =	sld [smem:$0x3FAF]  }
0x29: {  	s4 =	sld [smem:$0x3FB1]  }
0x2a: {  	p0 =	seq.s32 s5, $0x0;
	s5 =	sld [smem:$0x3FB2]  }
0x2b: {  	s6 =	sld [smem:$0x3FB3]  }
0x2c: {  	s7 =	sld [smem:$0x3FB4]  }
0x2d: {  	s3 =	simm.s32 $0x108;
	s8 =	sld [smem:$0x3FB5]  }
0x2e: {  	s3 =	simm.s32 @!p0 $0x1082;
	s9 =	sld [smem:$0x3FB6]  }
0x2f: {  	lr =	sadd.s32 s0, s3;
	s0 =	sld [smem:$0x3FAD]  }
0x30: {  	s3 =	sld [smem:$0x3FB0]  }
0x31: {  	[smem:$0x3FB9] =	sst s10  }
0x32: {  	s10 =	sld [smem:$0x3FB7];
	_ =	sdelay $0x3  }
0x33: {  	p0 =	seq.s32 s10, $0x1;
	s10 =	sld [smem:$0x3FB9];
	_ =	sdelay $0x3  }
0x34: {  	[smem:$0x3FB9] =	sst s10  }
0x35: {  	s10 =	sld [smem:$0x3FB8];
	_ =	sdelay $0x3  }
0x36: {  	p1 =	seq.s32 s10, $0x1;
	s10 =	sld [smem:$0x3FB9];
	_ =	sdelay $0x3  }
0x37: {  	[smem:$0x3FB9] =	sst s10  }
0x38: {  	s10 =	sld [smem:$0x3FBA]  }
0x39: {  	_ = 	snop;
	(pc) =	sbr.ind lr, $3  }
0x3a: {  	_ = 	snop  }
0x3b: {  	_ = 	snop  }
0x3c: {  	p2 =	seq.s32 s10, $0x1;
	s10 =	sld [smem:$0x3FB9]  }
0x3d: {  	_ =	shalt  }
0x3e: {  	_ =	shalt  }
0x3f: {  	_ =	shalt  }
0x40: {  	_ =	shalt  }
0x41: {  	_ =	shalt  }
0x42: {  	_ =	shalt  }
0x43: {  	_ =	shalt  }
0x44: {  	_ =	shalt  }
0x45: {  	_ =	shalt  }
0x46: {  	_ =	shalt  }
0x47: {  	_ =	shalt  }
0x48: {  	_ =	shalt  }
0x49: {  	_ =	shalt  }
0x4a: {  	_ =	shalt  }
0x4b: {  	_ =	shalt  }
0x4c: {  	_ =	shalt  }
0x4d: {  	_ =	shalt  }
0x4e: {  	_ =	shalt  }
0x4f: {  	_ =	shalt  }
0x50: {  	_ =	shalt  }
0x51: {  	_ =	shalt  }
0x52: {  	_ =	shalt  }
0x53: {  	_ =	shalt  }
0x54: {  	_ =	shalt  }
0x55: {  	_ =	shalt  }
0x56: {  	_ =	shalt  }
0x57: {  	_ =	shalt  }
0x58: {  	_ =	shalt  }
0x59: {  	_ =	shalt  }
0x5a: {  	_ =	shalt  }
0x5b: {  	_ =	shalt  }
0x5c: {  	_ =	shalt  }
0x5d: {  	_ =	shalt  }
0x5e: {  	_ =	shalt  }
0x5f: {  	_ =	shalt  }
0x60: {  	_ =	shalt  }
0x61: {  	_ =	shalt  }
0x62: {  	_ =	shalt  }
0x63: {  	_ =	shalt  }
0x64: {  	_ =	shalt  }
0x65: {  	_ =	shalt  }
0x66: {  	_ =	shalt  }
0x67: {  	_ =	shalt  }
0x68: {  	_ =	shalt  }
0x69: {  	_ =	shalt  }
0x6a: {  	_ =	shalt  }
0x6b: {  	_ =	shalt  }
0x6c: {  	_ =	shalt  }
0x6d: {  	_ =	shalt  }
0x6e: {  	_ =	shalt  }
0x6f: {  	_ =	shalt  }
0x70: {  	_ =	shalt  }
0x71: {  	_ =	shalt  }
0x72: {  	_ =	shalt  }
0x73: {  	_ =	shalt  }
0x74: {  	_ =	shalt  }
0x75: {  	_ =	shalt  }
0x76: {  	_ =	shalt  }
0x77: {  	_ =	shalt  }
0x78: {  	_ =	shalt  }
0x79: {  	_ =	shalt  }
0x7a: {  	_ =	shalt  }
0x7b: {  	_ =	shalt  }
0x7c: {  	_ =	shalt  }
0x7d: {  	_ =	shalt  }
0x7e: {  	_ =	shalt  }
0x7f: {  	_ =	shalt  }
0x80: {  	_ =	shalt  }
0x81: {  	_ =	shalt  }
0x82: {  	_ =	shalt  }
0x83: {  	_ =	shalt  }
0x84: {  	_ =	shalt  }
0x85: {  	_ =	shalt  }
0x86: {  	_ =	shalt  }
0x87: {  	_ =	shalt  }
.Lfunc_end0:
.L_simem_size_0:
called_computation_lowered:
.L_overlay_start_0:
0x88: {  	s2 =	sld [smem:$0x3FD9]  }
0x89: {  	s3 =	sld [smem:$0x3FFE];
	_ =	sdelay $0x1  }
0x8a: {  	s1 =	srdreg.scid  }
0x8b: {  	s0 =	sand.u32 $0x1, s1  }
0x8c: {  	s18 =	sshll.u32 s0, $0xA;
	s2 =	sadd.s32 s3, s2  }
0x8d: {  	s2 =	sadd.s32 s2, s18  }
0x8e: {  	[smem:$0x3FC5] =	sst s2  }
0x8f: {  	_ = 	snop  }
0x90: {  	s2 =	sld [smem:$0x3FC9]  }
0x91: {  	s19 =	sld [smem:$0x3FC8]  }
0x92: {  	s4 =	sld [smem:$0x3FC7]  }
0x93: {  	s5 =	sld [smem:$0x3FD0];
	(tm) =	ssettm $0x1  }
0x94: {  	s6 =	sld [smem:$0x3FFB];
	_ =	sdelay $0x3  }
0x95: {  	_ =	strace s6  }
0x96: {  	s6 =	sld [smem:$0x3FFC];
	_ =	sdelay $0x3  }
0x97: {  	_ =	strace s6  }
0x98: {  	s6 =	sld [smem:$0x3FFD];
	_ =	sdelay $0x3  }
0x99: {  	_ =	strace s6  }
0x9a: {  	_ =	strace $0x8FFFFFFF  }
0x9b: {  	s20 =	sld [smem:$0x3FDB];
	_ =	sdelay $0x1  }
0x9c: {  	s7 =	simm.s32 $_scs_section_size  }
0x9d: {  	s8 =	simm.s32 $_size__tile_overlayer_lowered;
	s9 =	simm.s32 $_tile_overlayer_lowered  }
0x9e: {  	s23 =	simm.s32 $0x1BFF;
	s22 =	sshll.u32 s9, $0x1;
	s6 =	sadd.s32 s7, s20  }
0x9f: {  	s10 =	simm.s32 $0x0;
	s21 =	sshll.u32 s8, $0x1;
	s8 =	sadd.s32 s22, s6  }
0xa0: {  	[timem:s10], [sflag:s23] =	dma.local [hbm:s8], s21  }
0xa1: {  	_ =	swait.ge [sflag:s23], s21  }
0xa2: {  	s7 =	ssub.s32 $0x0, s21;
	[sflag:s23] =	ssyncset.done $0x0  }
0xa3: {  	[sflag:s23] =	ssyncadd.s32 s7;
	_ =	sdelay $0x1  }
0xa4: {  	s24 =	simm.s32 $0x1B8B  }
0xa5: {  	_ =	swait.ge [sflag:s24], $0x1  }
0xa6: {  	[sflag:s24] =	ssyncset.done $0x0  }
0xa7: {  	s25 =	simm.s32 $0x1B8E;
	[sflag:s24] =	ssyncadd.s32 $0xFFFFFFFF  }
0xa8: {  	s26 =	simm.s32 $execute0_lowered;
	[smem:$0x3FD2] =	sst s25  }
0xa9: {  	s7 =	sshll.u32 s26, $0x1;
	_ =	strace $0x80000046;
	[dreg:$0x1] =	wrdreg $0xFFFFFFFF  }
0xaa: {  	s28 =	simm.s32 $_size_execute0_lowered;
	s6 =	sadd.s32 s6, s7;
	[dreg:$0x0] =	wrdreg $0x0  }
0xab: {  	s7 =	sshll.u32 s28, $0x1;
	[dreg:$0x2] =	wrdreg s6  }
0xac: {  	[dreg:$0x3] =	wrdreg s7  }
0xad: {  	[dreg:$0x4] =	wrdreg $0xC0  }
0xae: {  	_ =	task [dreg:s10], $0x5FFFF  }
0xaf: {  	[dreg:$0x1] =	wrdreg $0xFFFFFFFF  }
0xb0: {  	[dreg:$0x0] =	wrdreg $0x60  }
0xb1: {  	[dreg:$0x2] =	wrdreg s2  }
0xb2: {  	[dreg:$0x3] =	wrdreg s19  }
0xb3: {  	[dreg:$0x4] =	wrdreg s4  }
0xb4: {  	[dreg:$0x5] =	wrdreg s5  }
0xb5: {  	[dreg:$0x6] =	wrdreg $0x108000  }
0xb6: {  	[dreg:$0x7] =	wrdreg $0x9  }
0xb7: {  	_ =	task.clear_ibuf [dreg:s10], $0x8FFFF;
	_ =	strace $0x90000046  }
0xb8: {  	s29 =	simm.s32 $0x9;
	_ =	strace $0x80000048  }
0xb9: {  	_ =	swait.ge [sflag:s29], $0x1  }
0xba: {  	[sflag:s29] =	ssyncadd.s32 $0xFFFFFFFF  }
0xbb: {  	_ =	strace $0x90000048  }
0xbc: {  	_ =	sfence  }
0xbd: {  	s30 =	sld [smem:$0x0];
	_ =	sdelay $0x2  }
0xbe: {  	s31 =	sshll.u32 s1, $0xD;
	s1 =	sshrl.u32 s1, $0x2  }
0xbf: {  	s3 =	sand.u32 $0x4000, s31;
	s1 =	sadd.s32 s1, s30  }
0xc0: {  	s0 =	sor.u32 s3, s0;
	s1 =	sshll.u32 s1, $0x11  }
0xc1: {  	s0 =	sor.u32 s1, s0  }
0xc2: {  	s0 =	sadd.s32 $0x8F2B, s0  }
0xc3: {  	[sflag:s0] =	ssyncadd.remote.s32 $0x1  }
0xc4: {  	_ =	sfence.sel $0xFFFF  }
0xc5: {  	[dreg:$0x0] =	wrdreg $0xFFFFFFFF;
	(pc) =	sbr.abs _section_cstart, $3  }
0xc6: {  	[dreg:$0x1] =	wrdreg $0xFFFFFFFF  }
0xc7: {  	_ =	task.clear_ibuf [dreg:s10], $0x2FFFF;
	_ =	strace $0x9FFFFFFF  }
0xc8: {  	(tm) =	ssettm $0x7FFFFFFF  }
0xc9: {  	_ =	shalt  }
tec
execute0_lowered:
.L_overlay_start_1:
0x0: {  	(tag) =	ssettag $0x1  }
0x1: {  	s0 =	rddreg [dreg:$0x0]  }
0x2: {  	s16 =	rddreg [dreg:$0x1]  }
0x3: {  	s1 =	rddreg [dreg:$0x2]  }
0x4: {  	s3 =	rddreg [dreg:$0x3]  }
0x5: {  	s20 =	srdreg.scid;
	s2 =	rddreg [dreg:$0x4]  }
0x6: {  	s4 =	stileid.u32;
	s14 =	rddreg [dreg:$0x5]  }
0x7: {  	s12 =	simm.s32 $0x40;
	s8 =	simm.s32 $0x80;
	s9 =	simm.s32 $0x100  }
0x8: {  	s11 =	simm.s32 $0x180;
	[dreg:$0x6] =	wrdreg s1;
	s1 =	simm.s32 $0x0  }
0x9: {  	s13 =	simm.s32 $0x200;
	s17 =	simm.s32 $0x280;
	[smem:$0x7FF] =	sst s1  }
0xa: {  	s18 =	simm.s32 $0x300;
	_ =	strace $0x80000047;
	[dreg:$0xf] =	wrdreg s8  }
0xb: {  	s19 =	simm.s32 $0x380;
	p1 =	por $0x0, $0x0;
	[dreg:$0x10] =	wrdreg s9  }
0xc: {  	s31 =	simm.s32 $0x12;
	s30 =	simm.s32 $0x13;
	[dreg:$0x11] =	wrdreg s11  }
0xd: {  	s29 =	simm.s32 $0x14;
	s5 =	sand.u32 $0x1, s20;
	[dreg:$0x12] =	wrdreg s13  }
0xe: {  	s6 =	sshll.u32 s4, $0x1;
	s20 =	simm.s32 $0x400;
	[dreg:$0x13] =	wrdreg s17  }
0xf: {  	s6 =	sor.u32 s5, s6;
	s25 =	ssub.s32 $0x2, s5;
	[dreg:$0x14] =	wrdreg s18  }
0x10: {  	s7 =	sshll.u32 s6, $0x8;
	s6 =	sshll.u32 s6, $0xD;
	[dreg:$0x15] =	wrdreg s19  }
0x11: {  	s5 =	sshrl.u32 s25, $0x1;
	[dreg:$0x16] =	wrdreg s20;
	s11 =	simm.s32 $0x780  }
0x12: {  	s0 =	sadd.s32 s0, s7;
	s15 =	sadd.s32 s3, s6;
	[dreg:$0x1d] =	wrdreg s11  }
0x13: {  	s3 =	ssub.s32 s25, s5;
	s25 =	simm.s32 $0x680;
	[dreg:$0x7] =	wrdreg s0  }
0x14: {  	s28 =	simm.s32 $0x15;
	s21 =	sadd.s32 $0x400, s15;
	[dreg:$0x1b] =	wrdreg s25  }
0x15: {  	p0 =	sne.s32 s4, $0x0;
	s22 =	sadd.s32 $0x800, s15;
	[dreg:$0x8] =	wrdreg s21  }
0x16: {  	s4 =	simm.s32 $0xF;
	s23 =	sadd.s32 $0xC00, s15;
	[dreg:$0x9] =	wrdreg s22  }
0x17: {  	s17 =	simm.s32 $0xE800;
	s24 =	sadd.s32 $0x1000, s15;
	[dreg:$0xa] =	wrdreg s23  }
0x18: {  	s8 =	simm.s32 $0xB;
	s26 =	sadd.s32 $0x1400, s15;
	[dreg:$0xb] =	wrdreg s24  }
0x19: {  	s5 =	simm.s32 $0xE;
	s6 =	sadd.s32 $0x1800, s15;
	[dreg:$0xc] =	wrdreg s26  }
0x1a: {  	s7 =	sadd.s32 $0x1C00, s15;
	s10 =	smax.u32 s3, $0x1;
	[dreg:$0xd] =	wrdreg s6  }
0x1b: {  	s0 =	simm.s32 $0x11;
	[dreg:$0xe] =	wrdreg s7;
	s11 =	sadd.s32 $0xFFFFFFFF, s10  }
0x1c: {  	s21 =	simm.s32 $0x480;
	s13 =	rddreg [dreg:$0x7];
	p2 =	sne.s32 s11, $0x0  }
.Ltmp0:
0x1d: {  	s22 =	simm.s32 $0x500;
	[dreg:$0x17] =	wrdreg s21;
	(pc) =	sbr.rel @!p2 .LBB2_1-.Ltmp0, $4  }
0x1e: {  	s25 =	simm.s32 $0x17;
	s23 =	simm.s32 $0x580;
	[dreg:$0x18] =	wrdreg s22  }
0x1f: {  	s24 =	simm.s32 $0x600;
	s26 =	simm.s32 $0x700;
	[dreg:$0x19] =	wrdreg s23  }
0x20: {  	s7 =	simm.s32 $0xC;
	s6 =	simm.s32 $0xD;
	[dreg:$0x1a] =	wrdreg s24  }
0x21: {  	[dreg:$0x1c] =	wrdreg s26;
	s26 =	simm.s32 $0x16;
	s23 =	sshrl.u32 @!p0 s2, $0x3  }
0x22: {  	[tilespmem:s1], [sflag:$0x19] =	stream.linear.gather [hbm4b:s13+s1], $0x800, $0x38;
	[tilespmem:$0x11800] =	vst v63  }
0x23: {  	s10 =	simm.s32 $0x19  }
0x24: {  	_ =	swait.ge [sflag:s10], $0x800  }
0x25: {  	[sflag:s10] =	ssyncset.done $0x0  }
0x26: {  	s14 =	simm.s32 $0x800;
	s19 =	rddreg [dreg:$0xf];
	[sflag:s10] =	ssyncadd.s32 $0xFFFFF800  }
0x27: {  	[tilespmem:s14], [sflag:$0x1] =	stream.indirect.gather [hbm4b:s16+s12], $0x80, s1, s12, $0xb8;
	[tilespmem:$0x11800] =	vst v63  }
0x28: {  	s18 =	simm.s32 $0x2800;
	s20 =	rddreg [dreg:$0x10]  }
0x29: {  	[tilespmem:s18], [sflag:$0x2] =	stream.indirect.gather [hbm4b:s16+s12], $0x80, s19, s12, $0xb8;
	[tilespmem:$0x11800] =	vst v63  }
0x2a: {  	s21 =	rddreg [dreg:$0x11];
	s19 =	simm.s32 $0x4800  }
0x2b: {  	[tilespmem:s19], [sflag:$0x3] =	stream.indirect.gather [hbm4b:s16+s12], $0x80, s20, s12, $0xb8;
	[tilespmem:$0x11800] =	vst v63  }
0x2c: {  	s22 =	rddreg [dreg:$0x12];
	s20 =	simm.s32 $0x6800  }
0x2d: {  	[tilespmem:s20], [sflag:$0x4] =	stream.indirect.gather [hbm4b:s16+s12], $0x80, s21, s12, $0xb8;
	[tilespmem:$0x11800] =	vst v63  }
0x2e: {  	s9 =	simm.s32 $0x8800;
	s24 =	rddreg [dreg:$0x13]  }
0x2f: {  	[tilespmem:s9], [sflag:$0x5] =	stream.indirect.gather [hbm4b:s16+s12], $0x80, s22, s12, $0xb8;
	[tilespmem:$0x11800] =	vst v63  }
0x30: {  	s3 =	rddreg [dreg:$0x14];
	s21 =	simm.s32 $0xA800  }
0x31: {  	[tilespmem:s21], [sflag:$0x6] =	stream.indirect.gather [hbm4b:s16+s12], $0x80, s24, s12, $0xb8;
	[tilespmem:$0x11800] =	vst v63  }
0x32: {  	s13 =	rddreg [dreg:$0x6];
	s22 =	simm.s32 $0xC800  }
0x33: {  	[tilespmem:s22], [sflag:$0x7] =	stream.indirect.gather [hbm4b:s16+s12], $0x80, s3, s12, $0xb8;
	[tilespmem:$0x11800] =	vst v63  }
0x34: {  	s10 =	simm.s32 @!p0 $0x19;
	s24 =	rddreg [dreg:$0x15];
	s3 =	simm.s32 @!p0 $0x1C19  }
0x35: {  	[tilespmem:s17], [sflag:$0x8] =	stream.indirect.gather [hbm4b:s16+s12], $0x80, s24, s12, $0xb8;
	[tilespmem:$0x11800] =	vst v63  }
0x36: {  	[spmem:s23], [sflag:s3] =	dma.local @!p0 [hbm:s13], $0x2000  }
0x37: {  	_ =	swait.ge @!p0 [sflag:s10], $0x2000  }
0x38: {  	[sflag:s10] =	ssyncset.done @!p0 $0x0  }
0x39: {  	[sflag:s10] =	ssyncadd.s32 @!p0 $0xFFFFE000  }
0x3a: {  	s24 =	simm.s32 $0x1;
	[bflag:$0x0] =	sbarrier.arrive $0xFFFF  }
0x3b: {  	_ =	swait.ge [sflag:s24], $0x2000  }
0x3c: {  	[sflag:s24] =	ssyncset.done $0x0  }
0x3d: {  	s13 =	simm.s32 $0x2;
	s3 =	rddreg [dreg:$0x16];
	[sflag:s24] =	ssyncadd.s32 $0xFFFFE000  }
0x3e: {  	[tilespmem:s14], [sflag:$0x9] =	stream.indirect.gather.add.f32 [spmem:s2], $0x80, s3, s12, $0xb8;
	[tilespmem:$0x11800] =	vst v63  }
0x3f: {  	_ =	swait.ge [sflag:s13], $0x2000  }
0x40: {  	[sflag:s13] =	ssyncset.done $0x0  }
0x41: {  	s24 =	rddreg [dreg:$0x17];
	[sflag:s13] =	ssyncadd.s32 $0xFFFFE000;
	s13 =	simm.s32 $0x3  }
0x42: {  	[tilespmem:s18], [sflag:$0xA] =	stream.indirect.gather.add.f32 [spmem:s2], $0x80, s24, s12, $0xb8;
	[tilespmem:$0x11800] =	vst v63  }
0x43: {  	_ =	swait.ge [sflag:s13], $0x2000  }
0x44: {  	[sflag:s13] =	ssyncset.done $0x0  }
0x45: {  	s24 =	rddreg [dreg:$0x18];
	[sflag:s13] =	ssyncadd.s32 $0xFFFFE000;
	s13 =	simm.s32 $0x4  }
0x46: {  	[tilespmem:s19], [sflag:$0xB] =	stream.indirect.gather.add.f32 [spmem:s2], $0x80, s24, s12, $0xb8;
	[tilespmem:$0x11800] =	vst v63  }
0x47: {  	_ =	swait.ge [sflag:s13], $0x2000  }
0x48: {  	[sflag:s13] =	ssyncset.done $0x0  }
0x49: {  	s24 =	rddreg [dreg:$0x19];
	[sflag:s13] =	ssyncadd.s32 $0xFFFFE000;
	s13 =	simm.s32 $0x5  }
0x4a: {  	[tilespmem:s20], [sflag:$0xC] =	stream.indirect.gather.add.f32 [spmem:s2], $0x80, s24, s12, $0xb8;
	[tilespmem:$0x11800] =	vst v63  }
0x4b: {  	_ =	swait.ge [sflag:s13], $0x2000  }
0x4c: {  	[sflag:s13] =	ssyncset.done $0x0  }
0x4d: {  	s24 =	rddreg [dreg:$0x1a];
	[sflag:s13] =	ssyncadd.s32 $0xFFFFE000;
	s13 =	simm.s32 $0x6  }
0x4e: {  	[tilespmem:s9], [sflag:$0xD] =	stream.indirect.gather.add.f32 [spmem:s2], $0x80, s24, s12, $0xb8;
	[tilespmem:$0x11800] =	vst v63  }
0x4f: {  	_ =	swait.ge [sflag:s13], $0x2000  }
0x50: {  	[sflag:s13] =	ssyncset.done $0x0  }
0x51: {  	s24 =	rddreg [dreg:$0x1b];
	[sflag:s13] =	ssyncadd.s32 $0xFFFFE000;
	s13 =	simm.s32 $0x7  }
0x52: {  	[tilespmem:s21], [sflag:$0xE] =	stream.indirect.gather.add.f32 [spmem:s2], $0x80, s24, s12, $0xb8;
	[tilespmem:$0x11800] =	vst v63  }
0x53: {  	_ =	swait.ge [sflag:s13], $0x2000  }
0x54: {  	[sflag:s13] =	ssyncset.done $0x0  }
0x55: {  	s24 =	rddreg [dreg:$0x1c];
	[sflag:s13] =	ssyncadd.s32 $0xFFFFE000;
	s13 =	simm.s32 $0x8  }
0x56: {  	[tilespmem:s22], [sflag:$0xF] =	stream.indirect.gather.add.f32 [spmem:s2], $0x80, s24, s12, $0xb8;
	[tilespmem:$0x11800] =	vst v63  }
0x57: {  	_ =	swait.ge [sflag:s13], $0x2000  }
0x58: {  	[sflag:s13] =	ssyncset.done $0x0  }
0x59: {  	s24 =	rddreg [dreg:$0x1d];
	[sflag:s13] =	ssyncadd.s32 $0xFFFFE000;
	s13 =	simm.s32 $0x9  }
0x5a: {  	[tilespmem:s17], [sflag:$0x10] =	stream.indirect.gather.add.f32 [spmem:s2], $0x80, s24, s12, $0xb8;
	[tilespmem:$0x11800] =	vst v63  }
0x5b: {  	_ =	swait.ge [sflag:s13], $0x2000  }
0x5c: {  	[sflag:s13] =	ssyncset.done $0x0  }
0x5d: {  	[sflag:s13] =	ssyncadd.s32 $0xFFFFE000  }
0x5e: {  	[hbm4b:s15+s1] =	stream.linear.scatter [tilespmem:s14], [sflag:$0x11], $0x2000, $0x38;
	[tilespmem:$0x11800] =	vst v63  }
0x5f: {  	s14 =	simm.s32 $0xA  }
0x60: {  	_ =	swait.ge [sflag:s14], $0x2000  }
0x61: {  	[sflag:s14] =	ssyncset.done $0x0  }
0x62: {  	s24 =	rddreg [dreg:$0x8];
	[sflag:s14] =	ssyncadd.s32 $0xFFFFE000  }
0x63: {  	[hbm4b:s24+s1] =	stream.linear.scatter [tilespmem:s18], [sflag:$0x12], $0x2000, $0x38;
	[tilespmem:$0x11800] =	vst v63  }
0x64: {  	_ =	swait.ge [sflag:s8], $0x2000  }
0x65: {  	[sflag:s8] =	ssyncset.done $0x0  }
0x66: {  	s3 =	rddreg [dreg:$0x9];
	[sflag:s8] =	ssyncadd.s32 $0xFFFFE000  }
0x67: {  	[hbm4b:s3+s1] =	stream.linear.scatter [tilespmem:s19], [sflag:$0x13], $0x2000, $0x38;
	[tilespmem:$0x11800] =	vst v63  }
0x68: {  	_ =	swait.ge [sflag:s7], $0x2000  }
0x69: {  	[sflag:s7] =	ssyncset.done $0x0  }
0x6a: {  	s14 =	rddreg [dreg:$0xa];
	[sflag:s7] =	ssyncadd.s32 $0xFFFFE000  }
0x6b: {  	[hbm4b:s14+s1] =	stream.linear.scatter [tilespmem:s20], [sflag:$0x14], $0x2000, $0x38;
	[tilespmem:$0x11800] =	vst v63  }
0x6c: {  	_ =	swait.ge [sflag:s6], $0x2000  }
0x6d: {  	[sflag:s6] =	ssyncset.done $0x0  }
0x6e: {  	s18 =	rddreg [dreg:$0xb];
	[sflag:s6] =	ssyncadd.s32 $0xFFFFE000  }
0x6f: {  	[hbm4b:s18+s1] =	stream.linear.scatter [tilespmem:s9], [sflag:$0x15], $0x2000, $0x38;
	[tilespmem:$0x11800] =	vst v63  }
0x70: {  	_ =	swait.ge [sflag:s5], $0x2000  }
0x71: {  	[sflag:s5] =	ssyncset.done $0x0  }
0x72: {  	s19 =	rddreg [dreg:$0xc];
	[sflag:s5] =	ssyncadd.s32 $0xFFFFE000  }
0x73: {  	[hbm4b:s19+s1] =	stream.linear.scatter [tilespmem:s21], [sflag:$0x16], $0x2000, $0x38;
	[tilespmem:$0x11800] =	vst v63  }
0x74: {  	_ =	swait.ge [sflag:s4], $0x2000  }
0x75: {  	[sflag:s4] =	ssyncset.done $0x0  }
0x76: {  	s21 =	simm.s32 $0x10;
	s20 =	rddreg [dreg:$0xd];
	[sflag:s4] =	ssyncadd.s32 $0xFFFFE000  }
0x77: {  	[hbm4b:s20+s1] =	stream.linear.scatter [tilespmem:s22], [sflag:$0x17], $0x2000, $0x38;
	[tilespmem:$0x11800] =	vst v63  }
0x78: {  	_ =	swait.ge [sflag:s21], $0x2000  }
0x79: {  	[sflag:s21] =	ssyncset.done $0x0  }
0x7a: {  	s22 =	rddreg [dreg:$0xe];
	[sflag:s21] =	ssyncadd.s32 $0xFFFFE000  }
0x7b: {  	[hbm4b:s22+s1] =	stream.linear.scatter [tilespmem:s17], [sflag:$0x18], $0x2000, $0x38;
	[tilespmem:$0x11800] =	vst v63  }
0x7c: {  	_ =	swait.ge [sflag:s0], $0x2000  }
0x7d: {  	[sflag:s0] =	ssyncset.done $0x0  }
0x7e: {  	[sflag:s0] =	ssyncadd.s32 $0xFFFFE000  }
0x7f: {  	_ =	swait.ge [sflag:s31], $0x2000  }
0x80: {  	[sflag:s31] =	ssyncset.done $0x0  }
0x81: {  	[sflag:s31] =	ssyncadd.s32 $0xFFFFE000  }
0x82: {  	_ =	swait.ge [sflag:s30], $0x2000  }
0x83: {  	[sflag:s30] =	ssyncset.done $0x0  }
0x84: {  	[sflag:s30] =	ssyncadd.s32 $0xFFFFE000  }
0x85: {  	_ =	swait.ge [sflag:s29], $0x2000  }
0x86: {  	[sflag:s29] =	ssyncset.done $0x0  }
0x87: {  	[sflag:s29] =	ssyncadd.s32 $0xFFFFE000  }
0x88: {  	_ =	swait.ge [sflag:s28], $0x2000  }
0x89: {  	[sflag:s28] =	ssyncset.done $0x0  }
0x8a: {  	[sflag:s28] =	ssyncadd.s32 $0xFFFFE000  }
0x8b: {  	_ =	swait.ge [sflag:s26], $0x2000  }
0x8c: {  	s11 =	sadd.s32 $0xFFFFFFFF, s11;
	[sflag:s26] =	ssyncset.done $0x0  }
0x8d: {  	p2 =	sne.s32 s11, $0x0;
	[sflag:s26] =	ssyncadd.s32 $0xFFFFE000  }
.Ltmp1:
0x8e: {  	_ =	swait.ge [sflag:s25], $0x2000;
	(pc) =	sbr.rel @!p2 .LBB2_7-.Ltmp1, $4  }
0x8f: {  	[sflag:s25] =	ssyncset.done $0x0  }
0x90: {  	s24 =	simm.s32 $0x18;
	[sflag:s25] =	ssyncadd.s32 $0xFFFFE000  }
0x91: {  	p1 =	por $0x1, $0x1;
	_ =	swait.ge [sflag:s24], $0x2000  }
0x92: {  	s14 =	simm.s32 $0x18;
	s13 =	rddreg [dreg:$0x7];
	[sflag:s24] =	ssyncset.done $0x0  }
0x93: {  	s20 =	simm.s32 $0x800  }
0x94: {  	s18 =	simm.s32 $0x2800;
	s19 =	simm.s32 $0x4800;
	s21 =	simm.s32 $0x6800  }
0x95: {  	s9 =	simm.s32 $0x8800;
	s22 =	simm.s32 $0xA800;
	s24 =	simm.s32 $0xC800  }
.LBB2_4:
0x96: {  	[sflag:s14] =	ssyncadd.s32 $0xFFFFE000;
	s17 =	simm.s32 $0x19  }
0x97: {  	[tilespmem:s1], [sflag:$0x19] =	stream.linear.gather [hbm4b:s13+s1], $0x800, $0x38;
	[tilespmem:$0x11800] =	vst v63  }
0x98: {  	_ =	swait.ge [sflag:s17], $0x800  }
0x99: {  	[sflag:s17] =	ssyncset.done $0x0  }
0x9a: {  	[sflag:s17] =	ssyncadd.s32 $0xFFFFF800  }
0x9b: {  	[tilespmem:s20], [sflag:$0x1] =	stream.indirect.gather [hbm4b:s16+s12], $0x80, s1, s12, $0xb8;
	[tilespmem:$0x11800] =	vst v63  }
0x9c: {  	s3 =	rddreg [dreg:$0xf]  }
0x9d: {  	[tilespmem:s18], [sflag:$0x2] =	stream.indirect.gather [hbm4b:s16+s12], $0x80, s3, s12, $0xb8;
	[tilespmem:$0x11800] =	vst v63  }
0x9e: {  	s17 =	smov.u32 s15;
	s15 =	rddreg [dreg:$0x10]  }
0x9f: {  	[tilespmem:s19], [sflag:$0x3] =	stream.indirect.gather [hbm4b:s16+s12], $0x80, s15, s12, $0xb8;
	[tilespmem:$0x11800] =	vst v63  }
0xa0: {  	s3 =	rddreg [dreg:$0x11]  }
0xa1: {  	[tilespmem:s21], [sflag:$0x4] =	stream.indirect.gather [hbm4b:s16+s12], $0x80, s3, s12, $0xb8;
	[tilespmem:$0x11800] =	vst v63  }
0xa2: {  	s15 =	rddreg [dreg:$0x12]  }
0xa3: {  	[tilespmem:s9], [sflag:$0x5] =	stream.indirect.gather [hbm4b:s16+s12], $0x80, s15, s12, $0xb8;
	[tilespmem:$0x11800] =	vst v63  }
0xa4: {  	s3 =	rddreg [dreg:$0x13]  }
0xa5: {  	[tilespmem:s22], [sflag:$0x6] =	stream.indirect.gather [hbm4b:s16+s12], $0x80, s3, s12, $0xb8;
	[tilespmem:$0x11800] =	vst v63  }
0xa6: {  	s15 =	rddreg [dreg:$0x14]  }
0xa7: {  	[tilespmem:s24], [sflag:$0x7] =	stream.indirect.gather [hbm4b:s16+s12], $0x80, s15, s12, $0xb8;
	[tilespmem:$0x11800] =	vst v63  }
0xa8: {  	s3 =	rddreg [dreg:$0x15];
	s15 =	smov.u32 s17;
	s17 =	simm.s32 $0xE800  }
0xa9: {  	[tilespmem:s17], [sflag:$0x8] =	stream.indirect.gather [hbm4b:s16+s12], $0x80, s3, s12, $0xb8;
	[tilespmem:$0x11800] =	vst v63  }
0xaa: {  	s13 =	rddreg [dreg:$0x6];
	s3 =	simm.s32 @!p0 $0x1C19  }
0xab: {  	[spmem:s23], [sflag:s3] =	dma.local @!p0 [hbm:s13], $0x2000  }
0xac: {  	_ =	swait.ge @!p0 [sflag:s10], $0x2000  }
0xad: {  	[sflag:s10] =	ssyncset.done @!p0 $0x0  }
0xae: {  	[sflag:s10] =	ssyncadd.s32 @!p0 $0xFFFFE000  }
0xaf: {  	s3 =	simm.s32 $0x1;
	[bflag:$0x0] =	sbarrier.arrive $0xFFFF  }
0xb0: {  	_ =	swait.ge [sflag:s3], $0x2000  }
0xb1: {  	[sflag:s3] =	ssyncset.done $0x0  }
0xb2: {  	s13 =	rddreg [dreg:$0x16];
	[sflag:s3] =	ssyncadd.s32 $0xFFFFE000;
	s3 =	simm.s32 $0x2  }
0xb3: {  	[tilespmem:s20], [sflag:$0x9] =	stream.indirect.gather.add.f32 [spmem:s2], $0x80, s13, s12, $0xb8;
	[tilespmem:$0x11800] =	vst v63  }
0xb4: {  	_ =	swait.ge [sflag:s3], $0x2000  }
0xb5: {  	[sflag:s3] =	ssyncset.done $0x0  }
0xb6: {  	s13 =	rddreg [dreg:$0x17];
	[sflag:s3] =	ssyncadd.s32 $0xFFFFE000;
	s3 =	simm.s32 $0x3  }
0xb7: {  	[tilespmem:s18], [sflag:$0xA] =	stream.indirect.gather.add.f32 [spmem:s2], $0x80, s13, s12, $0xb8;
	[tilespmem:$0x11800] =	vst v63  }
0xb8: {  	_ =	swait.ge [sflag:s3], $0x2000  }
0xb9: {  	[sflag:s3] =	ssyncset.done $0x0  }
0xba: {  	s13 =	rddreg [dreg:$0x18];
	[sflag:s3] =	ssyncadd.s32 $0xFFFFE000;
	s3 =	simm.s32 $0x4  }
0xbb: {  	[tilespmem:s19], [sflag:$0xB] =	stream.indirect.gather.add.f32 [spmem:s2], $0x80, s13, s12, $0xb8;
	[tilespmem:$0x11800] =	vst v63  }
0xbc: {  	_ =	swait.ge [sflag:s3], $0x2000  }
0xbd: {  	[sflag:s3] =	ssyncset.done $0x0  }
0xbe: {  	s13 =	rddreg [dreg:$0x19];
	[sflag:s3] =	ssyncadd.s32 $0xFFFFE000;
	s3 =	simm.s32 $0x5  }
0xbf: {  	[tilespmem:s21], [sflag:$0xC] =	stream.indirect.gather.add.f32 [spmem:s2], $0x80, s13, s12, $0xb8;
	[tilespmem:$0x11800] =	vst v63  }
0xc0: {  	_ =	swait.ge [sflag:s3], $0x2000  }
0xc1: {  	[sflag:s3] =	ssyncset.done $0x0  }
0xc2: {  	s13 =	rddreg [dreg:$0x1a];
	[sflag:s3] =	ssyncadd.s32 $0xFFFFE000;
	s3 =	simm.s32 $0x6  }
0xc3: {  	[tilespmem:s9], [sflag:$0xD] =	stream.indirect.gather.add.f32 [spmem:s2], $0x80, s13, s12, $0xb8;
	[tilespmem:$0x11800] =	vst v63  }
0xc4: {  	_ =	swait.ge [sflag:s3], $0x2000  }
0xc5: {  	[sflag:s3] =	ssyncset.done $0x0  }
0xc6: {  	s13 =	rddreg [dreg:$0x1b];
	[sflag:s3] =	ssyncadd.s32 $0xFFFFE000;
	s3 =	simm.s32 $0x7  }
0xc7: {  	[tilespmem:s22], [sflag:$0xE] =	stream.indirect.gather.add.f32 [spmem:s2], $0x80, s13, s12, $0xb8;
	[tilespmem:$0x11800] =	vst v63  }
0xc8: {  	_ =	swait.ge [sflag:s3], $0x2000  }
0xc9: {  	[sflag:s3] =	ssyncset.done $0x0  }
0xca: {  	s13 =	rddreg [dreg:$0x1c];
	[sflag:s3] =	ssyncadd.s32 $0xFFFFE000;
	s3 =	simm.s32 $0x8  }
0xcb: {  	[tilespmem:s24], [sflag:$0xF] =	stream.indirect.gather.add.f32 [spmem:s2], $0x80, s13, s12, $0xb8;
	[tilespmem:$0x11800] =	vst v63  }
0xcc: {  	_ =	swait.ge [sflag:s3], $0x2000  }
0xcd: {  	[sflag:s3] =	ssyncset.done $0x0  }
0xce: {  	s13 =	rddreg [dreg:$0x1d];
	[sflag:s3] =	ssyncadd.s32 $0xFFFFE000  }
0xcf: {  	[tilespmem:s17], [sflag:$0x10] =	stream.indirect.gather.add.f32 [spmem:s2], $0x80, s13, s12, $0xb8;
	[tilespmem:$0x11800] =	vst v63  }
0xd0: {  	s13 =	simm.s32 $0x9  }
0xd1: {  	_ =	swait.ge [sflag:s13], $0x2000  }
0xd2: {  	[sflag:s13] =	ssyncset.done $0x0  }
0xd3: {  	s3 =	simm.s32 $0xA;
	[sflag:s13] =	ssyncadd.s32 $0xFFFFE000  }
0xd4: {  	[hbm4b:s15+s1] =	stream.linear.scatter [tilespmem:s20], [sflag:$0x11], $0x2000, $0x38;
	[tilespmem:$0x11800] =	vst v63  }
0xd5: {  	_ =	swait.ge [sflag:s3], $0x2000  }
0xd6: {  	[sflag:s3] =	ssyncset.done $0x0  }
0xd7: {  	s13 =	rddreg [dreg:$0x8];
	[sflag:s3] =	ssyncadd.s32 $0xFFFFE000  }
0xd8: {  	[hbm4b:s13+s1] =	stream.linear.scatter [tilespmem:s18], [sflag:$0x12], $0x2000, $0x38;
	[tilespmem:$0x11800] =	vst v63  }
0xd9: {  	_ =	swait.ge [sflag:s8], $0x2000  }
0xda: {  	[sflag:s8] =	ssyncset.done $0x0  }
0xdb: {  	s3 =	rddreg [dreg:$0x9];
	[sflag:s8] =	ssyncadd.s32 $0xFFFFE000  }
0xdc: {  	[hbm4b:s3+s1] =	stream.linear.scatter [tilespmem:s19], [sflag:$0x13], $0x2000, $0x38;
	[tilespmem:$0x11800] =	vst v63  }
0xdd: {  	_ =	swait.ge [sflag:s7], $0x2000  }
0xde: {  	[sflag:s7] =	ssyncset.done $0x0  }
0xdf: {  	s3 =	rddreg [dreg:$0xa];
	[sflag:s7] =	ssyncadd.s32 $0xFFFFE000  }
0xe0: {  	[hbm4b:s3+s1] =	stream.linear.scatter [tilespmem:s21], [sflag:$0x14], $0x2000, $0x38;
	[tilespmem:$0x11800] =	vst v63  }
0xe1: {  	_ =	swait.ge [sflag:s6], $0x2000  }
0xe2: {  	[sflag:s6] =	ssyncset.done $0x0  }
0xe3: {  	s3 =	rddreg [dreg:$0xb];
	[sflag:s6] =	ssyncadd.s32 $0xFFFFE000  }
0xe4: {  	[hbm4b:s3+s1] =	stream.linear.scatter [tilespmem:s9], [sflag:$0x15], $0x2000, $0x38;
	[tilespmem:$0x11800] =	vst v63  }
0xe5: {  	_ =	swait.ge [sflag:s5], $0x2000  }
0xe6: {  	[sflag:s5] =	ssyncset.done $0x0  }
0xe7: {  	s3 =	rddreg [dreg:$0xc];
	[sflag:s5] =	ssyncadd.s32 $0xFFFFE000  }
0xe8: {  	[hbm4b:s3+s1] =	stream.linear.scatter [tilespmem:s22], [sflag:$0x16], $0x2000, $0x38;
	[tilespmem:$0x11800] =	vst v63  }
0xe9: {  	_ =	swait.ge [sflag:s4], $0x2000  }
0xea: {  	[sflag:s4] =	ssyncset.done $0x0  }
0xeb: {  	s3 =	rddreg [dreg:$0xd];
	[sflag:s4] =	ssyncadd.s32 $0xFFFFE000  }
0xec: {  	[hbm4b:s3+s1] =	stream.linear.scatter [tilespmem:s24], [sflag:$0x17], $0x2000, $0x38;
	[tilespmem:$0x11800] =	vst v63  }
0xed: {  	s3 =	simm.s32 $0x10  }
0xee: {  	_ =	swait.ge [sflag:s3], $0x2000  }
0xef: {  	[sflag:s3] =	ssyncset.done $0x0  }
0xf0: {  	s13 =	rddreg [dreg:$0xe];
	[sflag:s3] =	ssyncadd.s32 $0xFFFFE000  }
0xf1: {  	[hbm4b:s13+s1] =	stream.linear.scatter [tilespmem:s17], [sflag:$0x18], $0x2000, $0x38;
	[tilespmem:$0x11800] =	vst v63  }
0xf2: {  	_ =	swait.ge [sflag:s0], $0x2000  }
0xf3: {  	[sflag:s0] =	ssyncset.done $0x0  }
0xf4: {  	[sflag:s0] =	ssyncadd.s32 $0xFFFFE000  }
0xf5: {  	_ =	swait.ge [sflag:s31], $0x2000  }
0xf6: {  	[sflag:s31] =	ssyncset.done $0x0  }
0xf7: {  	[sflag:s31] =	ssyncadd.s32 $0xFFFFE000  }
0xf8: {  	_ =	swait.ge [sflag:s30], $0x2000  }
0xf9: {  	[sflag:s30] =	ssyncset.done $0x0  }
0xfa: {  	[sflag:s30] =	ssyncadd.s32 $0xFFFFE000  }
0xfb: {  	_ =	swait.ge [sflag:s29], $0x2000  }
0xfc: {  	[sflag:s29] =	ssyncset.done $0x0  }
0xfd: {  	[sflag:s29] =	ssyncadd.s32 $0xFFFFE000  }
0xfe: {  	_ =	swait.ge [sflag:s28], $0x2000  }
0xff: {  	[sflag:s28] =	ssyncset.done $0x0  }
0x100: {  	[sflag:s28] =	ssyncadd.s32 $0xFFFFE000  }
0x101: {  	_ =	swait.ge [sflag:s26], $0x2000  }
0x102: {  	s11 =	sadd.s32 $0xFFFFFFFF, s11;
	[sflag:s26] =	ssyncset.done $0x0  }
0x103: {  	p2 =	sne.s32 s11, $0x0;
	[sflag:s26] =	ssyncadd.s32 $0xFFFFE000  }
.Ltmp2:
0x104: {  	_ =	swait.ge [sflag:s25], $0x2000;
	(pc) =	sbr.rel @p2 .LBB2_4-.Ltmp2, $4  }
0x105: {  	[sflag:s25] =	ssyncset.done $0x0  }
0x106: {  	s14 =	simm.s32 $0x18;
	[sflag:s25] =	ssyncadd.s32 $0xFFFFE000  }
0x107: {  	_ =	swait.ge [sflag:s14], $0x2000  }
0x108: {  	s13 =	rddreg [dreg:$0x7];
	[sflag:s14] =	ssyncset.done $0x0  }
0x109: {  	s3 =	smov.u32 s23;
	s14 =	rddreg [dreg:$0x5]  }
.LBB2_6:
0x10a: {  	s23 =	simm.s32 $0x18  }
0x10b: {  	s0 =	simm.s32 $0x19;
	[sflag:s23] =	ssyncadd.s32 @p1 $0xFFFFE000  }
0x10c: {  	[tilespmem:s1], [sflag:$0x19] =	stream.linear.gather [hbm4b:s13+s1], $0x800, $0x38;
	[tilespmem:$0x11800] =	vst v63  }
0x10d: {  	_ =	swait.ge [sflag:s0], $0x800  }
0x10e: {  	[sflag:s0] =	ssyncset.done $0x0  }
0x10f: {  	s22 =	simm.s32 $0x800;
	s8 =	rddreg [dreg:$0xf];
	[sflag:s0] =	ssyncadd.s32 $0xFFFFF800  }
0x110: {  	[tilespmem:s22], [sflag:$0x1] =	stream.indirect.gather [hbm4b:s16+s12], $0x80, s1, s12, $0xb8;
	[tilespmem:$0x11800] =	vst v63  }
0x111: {  	s21 =	simm.s32 $0x2800;
	s10 =	rddreg [dreg:$0x10]  }
0x112: {  	[tilespmem:s21], [sflag:$0x2] =	stream.indirect.gather [hbm4b:s16+s12], $0x80, s8, s12, $0xb8;
	[tilespmem:$0x11800] =	vst v63  }
0x113: {  	s20 =	simm.s32 $0x4800;
	s30 =	rddreg [dreg:$0x11]  }
0x114: {  	[tilespmem:s20], [sflag:$0x3] =	stream.indirect.gather [hbm4b:s16+s12], $0x80, s10, s12, $0xb8;
	[tilespmem:$0x11800] =	vst v63  }
0x115: {  	s19 =	simm.s32 $0x6800;
	s31 =	rddreg [dreg:$0x12]  }
0x116: {  	[tilespmem:s19], [sflag:$0x4] =	stream.indirect.gather [hbm4b:s16+s12], $0x80, s30, s12, $0xb8;
	[tilespmem:$0x11800] =	vst v63  }
0x117: {  	s18 =	simm.s32 $0x8800;
	s4 =	rddreg [dreg:$0x14]  }
0x118: {  	[tilespmem:s18], [sflag:$0x5] =	stream.indirect.gather [hbm4b:s16+s12], $0x80, s31, s12, $0xb8;
	[tilespmem:$0x11800] =	vst v63  }
0x119: {  	s13 =	simm.s32 $0xA800;
	s0 =	rddreg [dreg:$0x13]  }
0x11a: {  	[tilespmem:s13], [sflag:$0x6] =	stream.indirect.gather [hbm4b:s16+s12], $0x80, s0, s12, $0xb8;
	[tilespmem:$0x11800] =	vst v63  }
0x11b: {  	s11 =	simm.s32 $0xC800;
	s5 =	rddreg [dreg:$0x15]  }
0x11c: {  	[tilespmem:s11], [sflag:$0x7] =	stream.indirect.gather [hbm4b:s16+s12], $0x80, s4, s12, $0xb8;
	[tilespmem:$0x11800] =	vst v63  }
0x11d: {  	s8 =	simm.s32 @!p0 $0x1C19;
	s10 =	rddreg [dreg:$0x6]  }
0x11e: {  	[tilespmem:s17], [sflag:$0x8] =	stream.indirect.gather [hbm4b:s16+s12], $0x80, s5, s12, $0xb8;
	[tilespmem:$0x11800] =	vst v63  }
0x11f: {  	[spmem:s3], [sflag:s8] =	dma.local @!p0 [hbm:s10], $0x2000  }
0x120: {  	s8 =	simm.s32 @!p0 $0x19  }
0x121: {  	_ =	swait.ge @!p0 [sflag:s8], $0x2000  }
0x122: {  	[sflag:s8] =	ssyncset.done @!p0 $0x0  }
0x123: {  	[sflag:s8] =	ssyncadd.s32 @!p0 $0xFFFFE000  }
0x124: {  	s6 =	simm.s32 $0x1;
	[bflag:$0x0] =	sbarrier.arrive $0xFFFF  }
0x125: {  	_ =	swait.ge [sflag:s6], $0x2000  }
0x126: {  	[sflag:s6] =	ssyncset.done $0x0  }
0x127: {  	s9 =	simm.s32 $0x2;
	s7 =	rddreg [dreg:$0x16];
	[sflag:s6] =	ssyncadd.s32 $0xFFFFE000  }
0x128: {  	[tilespmem:s22], [sflag:$0x9] =	stream.indirect.gather.add.f32 [spmem:s2], $0x80, s7, s12, $0xb8;
	[tilespmem:$0x11800] =	vst v63  }
0x129: {  	_ =	swait.ge [sflag:s9], $0x2000  }
0x12a: {  	[sflag:s9] =	ssyncset.done $0x0  }
0x12b: {  	s16 =	simm.s32 $0x3;
	s10 =	rddreg [dreg:$0x17];
	[sflag:s9] =	ssyncadd.s32 $0xFFFFE000  }
0x12c: {  	[tilespmem:s21], [sflag:$0xA] =	stream.indirect.gather.add.f32 [spmem:s2], $0x80, s10, s12, $0xb8;
	[tilespmem:$0x11800] =	vst v63  }
0x12d: {  	_ =	swait.ge [sflag:s16], $0x2000  }
0x12e: {  	[sflag:s16] =	ssyncset.done $0x0  }
0x12f: {  	s24 =	simm.s32 $0x4;
	s7 =	rddreg [dreg:$0x18];
	[sflag:s16] =	ssyncadd.s32 $0xFFFFE000  }
0x130: {  	[tilespmem:s20], [sflag:$0xB] =	stream.indirect.gather.add.f32 [spmem:s2], $0x80, s7, s12, $0xb8;
	[tilespmem:$0x11800] =	vst v63  }
0x131: {  	_ =	swait.ge [sflag:s24], $0x2000  }
0x132: {  	[sflag:s24] =	ssyncset.done $0x0  }
0x133: {  	s25 =	simm.s32 $0x5;
	s6 =	rddreg [dreg:$0x19];
	[sflag:s24] =	ssyncadd.s32 $0xFFFFE000  }
0x134: {  	[tilespmem:s19], [sflag:$0xC] =	stream.indirect.gather.add.f32 [spmem:s2], $0x80, s6, s12, $0xb8;
	[tilespmem:$0x11800] =	vst v63  }
0x135: {  	_ =	swait.ge [sflag:s25], $0x2000  }
0x136: {  	[sflag:s25] =	ssyncset.done $0x0  }
0x137: {  	s26 =	simm.s32 $0x6;
	s5 =	rddreg [dreg:$0x1a];
	[sflag:s25] =	ssyncadd.s32 $0xFFFFE000  }
0x138: {  	[tilespmem:s18], [sflag:$0xD] =	stream.indirect.gather.add.f32 [spmem:s2], $0x80, s5, s12, $0xb8;
	[tilespmem:$0x11800] =	vst v63  }
0x139: {  	_ =	swait.ge [sflag:s26], $0x2000  }
0x13a: {  	[sflag:s26] =	ssyncset.done $0x0  }
0x13b: {  	s28 =	simm.s32 $0x7;
	s4 =	rddreg [dreg:$0x1b];
	[sflag:s26] =	ssyncadd.s32 $0xFFFFE000  }
0x13c: {  	[tilespmem:s13], [sflag:$0xE] =	stream.indirect.gather.add.f32 [spmem:s2], $0x80, s4, s12, $0xb8;
	[tilespmem:$0x11800] =	vst v63  }
0x13d: {  	_ =	swait.ge [sflag:s28], $0x2000  }
0x13e: {  	[sflag:s28] =	ssyncset.done $0x0  }
0x13f: {  	s30 =	simm.s32 $0x8;
	s29 =	rddreg [dreg:$0x1c];
	[sflag:s28] =	ssyncadd.s32 $0xFFFFE000  }
0x140: {  	[tilespmem:s11], [sflag:$0xF] =	stream.indirect.gather.add.f32 [spmem:s2], $0x80, s29, s12, $0xb8;
	[tilespmem:$0x11800] =	vst v63  }
0x141: {  	_ =	swait.ge [sflag:s30], $0x2000  }
0x142: {  	[sflag:s30] =	ssyncset.done $0x0  }
0x143: {  	s4 =	simm.s32 $0x9;
	s31 =	rddreg [dreg:$0x1d];
	[sflag:s30] =	ssyncadd.s32 $0xFFFFE000  }
0x144: {  	[tilespmem:s17], [sflag:$0x10] =	stream.indirect.gather.add.f32 [spmem:s2], $0x80, s31, s12, $0xb8;
	[tilespmem:$0x11800] =	vst v63  }
0x145: {  	_ =	swait.ge [sflag:s4], $0x2000  }
0x146: {  	[sflag:s4] =	ssyncset.done $0x0  }
0x147: {  	s5 =	simm.s32 $0xA;
	[sflag:s4] =	ssyncadd.s32 $0xFFFFE000  }
0x148: {  	[hbm4b:s15+s1] =	stream.linear.scatter [tilespmem:s22], [sflag:$0x11], $0x2000, $0x38;
	[tilespmem:$0x11800] =	vst v63  }
0x149: {  	_ =	swait.ge [sflag:s5], $0x2000  }
0x14a: {  	[sflag:s5] =	ssyncset.done $0x0  }
0x14b: {  	s7 =	simm.s32 $0xB;
	s6 =	rddreg [dreg:$0x8];
	[sflag:s5] =	ssyncadd.s32 $0xFFFFE000  }
0x14c: {  	[hbm4b:s6+s1] =	stream.linear.scatter [tilespmem:s21], [sflag:$0x12], $0x2000, $0x38;
	[tilespmem:$0x11800] =	vst v63  }
0x14d: {  	_ =	swait.ge [sflag:s7], $0x2000  }
0x14e: {  	[sflag:s7] =	ssyncset.done $0x0  }
0x14f: {  	s9 =	simm.s32 $0xC;
	s8 =	rddreg [dreg:$0x9];
	[sflag:s7] =	ssyncadd.s32 $0xFFFFE000  }
0x150: {  	[hbm4b:s8+s1] =	stream.linear.scatter [tilespmem:s20], [sflag:$0x13], $0x2000, $0x38;
	[tilespmem:$0x11800] =	vst v63  }
0x151: {  	_ =	swait.ge [sflag:s9], $0x2000  }
0x152: {  	[sflag:s9] =	ssyncset.done $0x0  }
0x153: {  	s12 =	simm.s32 $0xD;
	s10 =	rddreg [dreg:$0xa];
	[sflag:s9] =	ssyncadd.s32 $0xFFFFE000  }
0x154: {  	[hbm4b:s10+s1] =	stream.linear.scatter [tilespmem:s19], [sflag:$0x14], $0x2000, $0x38;
	[tilespmem:$0x11800] =	vst v63  }
0x155: {  	_ =	swait.ge [sflag:s12], $0x2000  }
0x156: {  	[sflag:s12] =	ssyncset.done $0x0  }
0x157: {  	s16 =	simm.s32 $0xE;
	s15 =	rddreg [dreg:$0xb];
	[sflag:s12] =	ssyncadd.s32 $0xFFFFE000  }
0x158: {  	[hbm4b:s15+s1] =	stream.linear.scatter [tilespmem:s18], [sflag:$0x15], $0x2000, $0x38;
	[tilespmem:$0x11800] =	vst v63  }
0x159: {  	_ =	swait.ge [sflag:s16], $0x2000  }
0x15a: {  	[sflag:s16] =	ssyncset.done $0x0  }
0x15b: {  	s19 =	simm.s32 $0xF;
	s18 =	rddreg [dreg:$0xc];
	[sflag:s16] =	ssyncadd.s32 $0xFFFFE000  }
0x15c: {  	[hbm4b:s18+s1] =	stream.linear.scatter [tilespmem:s13], [sflag:$0x16], $0x2000, $0x38;
	[tilespmem:$0x11800] =	vst v63  }
0x15d: {  	_ =	swait.ge [sflag:s19], $0x2000  }
0x15e: {  	[sflag:s19] =	ssyncset.done $0x0  }
0x15f: {  	s21 =	simm.s32 $0x10;
	s20 =	rddreg [dreg:$0xd];
	[sflag:s19] =	ssyncadd.s32 $0xFFFFE000  }
0x160: {  	[hbm4b:s20+s1] =	stream.linear.scatter [tilespmem:s11], [sflag:$0x17], $0x2000, $0x38;
	[tilespmem:$0x11800] =	vst v63  }
0x161: {  	_ =	swait.ge [sflag:s21], $0x2000  }
0x162: {  	[sflag:s21] =	ssyncset.done $0x0  }
0x163: {  	s24 =	simm.s32 $0x11;
	s22 =	rddreg [dreg:$0xe];
	[sflag:s21] =	ssyncadd.s32 $0xFFFFE000  }
0x164: {  	[hbm4b:s22+s1] =	stream.linear.scatter [tilespmem:s17], [sflag:$0x18], $0x2000, $0x38;
	[tilespmem:$0x11800] =	vst v63  }
0x165: {  	_ =	swait.ge [sflag:s24], $0x2000  }
0x166: {  	[sflag:s24] =	ssyncset.done $0x0  }
0x167: {  	s25 =	simm.s32 $0x12;
	[sflag:s24] =	ssyncadd.s32 $0xFFFFE000  }
0x168: {  	_ =	swait.ge [sflag:s25], $0x2000  }
0x169: {  	[sflag:s25] =	ssyncset.done $0x0  }
0x16a: {  	s26 =	simm.s32 $0x13;
	[sflag:s25] =	ssyncadd.s32 $0xFFFFE000  }
0x16b: {  	_ =	swait.ge [sflag:s26], $0x2000  }
0x16c: {  	[sflag:s26] =	ssyncset.done $0x0  }
0x16d: {  	s28 =	simm.s32 $0x14;
	[sflag:s26] =	ssyncadd.s32 $0xFFFFE000  }
0x16e: {  	_ =	swait.ge [sflag:s28], $0x2000  }
0x16f: {  	[sflag:s28] =	ssyncset.done $0x0  }
0x170: {  	s29 =	simm.s32 $0x15;
	[sflag:s28] =	ssyncadd.s32 $0xFFFFE000  }
0x171: {  	_ =	swait.ge [sflag:s29], $0x2000  }
0x172: {  	[sflag:s29] =	ssyncset.done $0x0  }
0x173: {  	s30 =	simm.s32 $0x16;
	[sflag:s29] =	ssyncadd.s32 $0xFFFFE000  }
0x174: {  	_ =	swait.ge [sflag:s30], $0x2000  }
0x175: {  	[sflag:s30] =	ssyncset.done $0x0  }
0x176: {  	s31 =	simm.s32 $0x17;
	[sflag:s30] =	ssyncadd.s32 $0xFFFFE000  }
0x177: {  	_ =	swait.ge [sflag:s31], $0x2000  }
0x178: {  	[sflag:s31] =	ssyncset.done $0x0  }
0x179: {  	[sflag:s31] =	ssyncadd.s32 $0xFFFFE000  }
0x17a: {  	_ =	swait.ge [sflag:s23], $0x2000  }
0x17b: {  	[sflag:s23] =	ssyncset.done $0x0  }
0x17c: {  	[sflag:s23] =	ssyncadd.s32 $0xFFFFE000  }
0x17d: {  	_ =	sfence.sel $0x180000  }
0x17e: {  	[bflag:$0x0] =	sbarrier.arrive $0xFFFF  }
0x17f: {  	_ =	strace $0x90000047  }
0x180: {  	s0 =	sadd.s32 @!p0 $0x100000, s14;
	[bflag:$0x2] =	sbarrier.arrive $0xFFFF  }
0x181: {  	[sflag:s0] =	ssyncadd.tile.s32 @!p0 $0x1;
	_ =	shalt  }
.LBB2_1:
.Ltmp3:
0x182: {  	(pc) =	sbr.rel .LBB2_6-.Ltmp3, $2  }
0x183: {  	_ =	sdelay $0x2  }
0x184: {  	s3 =	smov.u32 s23  }
.LBB2_7:
.Ltmp4:
0x185: {  	(pc) =	sbr.rel .LBB2_6-.Ltmp4, $2  }
0x186: {  	_ =	sdelay $0x2  }
0x187: {  	s3 =	smov.u32 s23;
	s14 =	rddreg [dreg:$0x5]  }
.Lfunc_end2:
_tile_overlayer_lowered:
.L_overlay_start_2:
0x188: {  	(tag) =	ssettag $0x2  }
0x189: {  	s0 =	rddreg [dreg:$0x0];
	s2 =	stileid.u32  }
0x18a: {  	s1 =	rddreg [dreg:$0x1];
	p0 =	sne.s32 s2, $0x0  }
0x18b: {  	s3 =	rddreg [dreg:$0x2];
	[bflag:$0x3] =	sbarrier.arrive $0xFFFF;
	s2 =	simm.s32 @!p0 $0x1C19  }
0x18c: {  	[timem:s3], [sflag:s2] =	dma.local @!p0 [hbm:s0], s1  }
0x18d: {  	s0 =	simm.s32 @!p0 $0x19  }
0x18e: {  	_ =	swait.ge @!p0 [sflag:s0], s1  }
0x18f: {  	s1 =	ssub.s32 @!p0 $0x0, s1;
	[sflag:s0] =	ssyncset.done @!p0 $0x0  }
0x190: {  	[sflag:s0] =	ssyncadd.s32 @!p0 s1  }
0x191: {  	[bflag:$0x3] =	sbarrier.arrive $0xFFFF  }
0x192: {  	_ =	shalt  }

</sc_bundles>
